<compile_context>
chip_gen: v7x
topology: tpu7x:2x2x1
jax: 0.10.2.dev20260603
libtpu: 0.0.44.dev20260713+nightly
codegen_flags: <defaults>
</compile_context>

<pallas_src>
import functools

import numpy as np
import jax
import jax.numpy as jnp
from jax import lax
from jax.experimental import pallas as pl
from jax.experimental.pallas import tpu as pltpu
from jax.experimental.pallas import tpu_sc as plsc

_DIM = 64
_MAX_LEN = 256

NC = 2
NS = 16
NW = NC * NS
BLK = 128
ITILE = 8


def _sinusoidal_pe(max_len, dim):
    pos = np.arange(max_len, dtype=np.float32)[:, None]
    i = np.arange(0, dim, 2, dtype=np.float32)[None, :]
    angle = pos / np.power(10000.0, i / dim)
    pe = np.zeros((max_len, dim), dtype=np.float32)
    pe[:, 0::2] = np.sin(angle)
    pe[:, 1::2] = np.cos(angle)
    return pe


@functools.partial(jax.jit, static_argnums=(3, 4))
def _run(ids_t, pe, table_pad, B, S):
    D = _DIM
    P = 2 * D
    ntile = S // ITILE

    mesh = plsc.VectorSubcoreMesh(core_axis_name="c", subcore_axis_name="s")

    @functools.partial(
        pl.kernel,
        mesh=mesh,
        out_type=jax.ShapeDtypeStruct((B, S, P), jnp.float32),
        scratch_types=[
            pltpu.VMEM((2, ITILE, BLK), jnp.int32),
            pltpu.VMEM((2, BLK, P), jnp.float32),
            pltpu.VMEM((S, D), jnp.float32),
            pltpu.SemaphoreType.DMA,
            pltpu.SemaphoreType.DMA,
            pltpu.SemaphoreType.DMA,
        ],
    )
    def body(ids_hbm, pe_hbm, table_hbm, out_hbm,
             idx_v, rows_v, pe_v, isem, gsem, ssem):
        wid = lax.axis_index("s") * NC + lax.axis_index("c")
        b0 = wid * BLK

        pltpu.sync_copy(pe_hbm, pe_v)

        def idx_src(t):
            return ids_hbm.at[pl.ds(t * ITILE, ITILE), pl.ds(b0, BLK)]

        def gather_refs(c, b):
            return (table_hbm.at[idx_v.at[(c // ITILE) % 2, c % ITILE]],
                    rows_v.at[b])

        def store_refs(c, b):
            return (rows_v.at[b], out_hbm.at[pl.ds(b0, BLK), c, :])

        def gather(c, b):
            pltpu.async_copy(*gather_refs(c, b), gsem)

        def wait_gather(c, b):
            pltpu.make_async_copy(*gather_refs(c, b), gsem).wait()

        def store(c, b):
            pltpu.async_copy(*store_refs(c, b), ssem)

        def wait_store(c, b):
            pltpu.make_async_copy(*store_refs(c, b), ssem).wait()

        pltpu.sync_copy(idx_src(0), idx_v.at[0])
        pltpu.async_copy(idx_src(1), idx_v.at[1], isem)
        gather(0, 0)

        def half(g, b):
            c = 2 * g + b
            nb = b ^ 1

            @pl.when(c >= 1)
            def _():
                wait_store(c - 1, nb)

            @pl.when(jnp.logical_and(c + 1 < S, (c + 1) % ITILE == 0))
            def _():
                pltpu.make_async_copy(idx_src((c + 1) // ITILE),
                                      idx_v.at[((c + 1) // ITILE) % 2],
                                      isem).wait()

            wait_gather(c, b)

            @pl.when(c + 1 < S)
            def _():
                gather(c + 1, nb)

            @pl.when(jnp.logical_and((c + 1) % ITILE == 0,
                                     (c + 1) // ITILE + 1 < ntile))
            def _():
                pltpu.async_copy(idx_src((c + 1) // ITILE + 1),
                                 idx_v.at[(c // ITILE) % 2], isem)

            pr = [pe_v[c, pl.ds(16 * j, 16)] for j in range(D // 16)]

            def add_row(r, carry):
                for u in range(2):
                    for j in range(D // 16):
                        row = 2 * r + u
                        col = pl.ds(16 * j, 16)
                        rows_v[b, row, col] = rows_v[b, row, col] + pr[j]
                return carry

            lax.fori_loop(0, BLK // 2, add_row, 0)
            store(c, b)

        def outer(g, carry):
            half(g, 0)
            half(g, 1)
            return carry

        lax.fori_loop(0, S // 2, outer, 0)
        wait_store(S - 1, 1)

    return body(ids_t, pe, table_pad)


def kernel(input, tok_table):
    B, S = input.shape
    V, D = tok_table.shape
    pe = jnp.asarray(_sinusoidal_pe(_MAX_LEN, D)[:S])
    ids_t = input.T.astype(jnp.int32)
    table_pad = jnp.pad(tok_table, ((0, 0), (0, D)))
    return _run(ids_t, pe, table_pad, B, S)[:, :, :D]

# --- scband reference (transcript-rebuilt; emitter-appended) ---
"""Pipeline reference for scband-transformer-embedding-13211319402583 (READ-ONLY COPY).

The authoritative reference and input builder live on the scoring server;
editing this copy changes nothing except your own understanding.
"""

import jax, jax.numpy as jnp
import numpy as np

VOCAB = 1000000
DIM = 64
MAX_LEN = 256
B = 4096
S = 200

def sinusoidal_pe(max_len, dim):
    pos = np.arange(max_len, dtype=np.float32)[:, None]
    i = np.arange(0, dim, 2, dtype=np.float32)[None, :]
    angle = pos / np.power(10000.0, i / dim)
    pe = np.zeros((max_len, dim), dtype=np.float32)
    pe[:, 0::2] = np.sin(angle)
    pe[:, 1::2] = np.cos(angle)
    return jnp.asarray(pe)

def setup_inputs(seed: int = 0) -> dict:
    key = jax.random.key(seed)
    k1, k2 = jax.random.split(key)
    input_ids = jax.random.randint(k1, (B, S), 0, VOCAB, dtype=jnp.int64 if jax.config.read('jax_enable_x64') else jnp.int32)
    tok_table = jax.random.normal(k2, (VOCAB, DIM), dtype=jnp.float32) * 0.02
    return {"input": input_ids, "tok_table": tok_table}

def reference(input, tok_table):
    # TokenEmbedding: gather rows from the embedding table
    tok_emb = jnp.take(tok_table, input, axis=0)  # (B, S, DIM)
    # PositionalEncoding: fixed sinusoidal encodings, sliced to sequence length
    pe = sinusoidal_pe(MAX_LEN, DIM)[:input.shape[1], :]  # (S, DIM)
    out = tok_emb + pe[None, :, :]
    # Dropout in eval mode is identity
    return out

if __name__ == "__main__":
    import jax
    _d = setup_inputs()
    print(jax.jit(kernel)(*tuple(_d.values())))

</pallas_src>

<mosaic_0001>
#map = affine_map<(d0, d1) -> (0, 0)>
#map1 = affine_map<(d0, d1) -> (0, 0, 0)>
module attributes {stable_mosaic.version = 14 : i64} {
  func.func @body(%arg0: i32, %arg1: i32, %arg2: memref<200x4096xi32, #tpu.memory_space<hbm>>, %arg3: memref<200x64xf32, #tpu.memory_space<hbm>>, %arg4: memref<1000000x128xf32, #tpu.memory_space<hbm>>, %arg5: memref<4096x200x128xf32, #tpu.memory_space<hbm>>, %arg6: memref<2x8x128xi32, #tpu.memory_space<vmem>>, %arg7: memref<2x128x128xf32, #tpu.memory_space<vmem>>, %arg8: memref<200x64xf32, #tpu.memory_space<vmem>>, %arg9: memref<!tpu.dma_semaphore, #tpu.memory_space<semaphore_mem>>, %arg10: memref<!tpu.dma_semaphore, #tpu.memory_space<semaphore_mem>>, %arg11: memref<!tpu.dma_semaphore, #tpu.memory_space<semaphore_mem>>) attributes {dimension_semantics = [#tpu.dimension_semantics<core_parallel>, #tpu.dimension_semantics<subcore_parallel>], iteration_bounds = array<i64: 2, 16>, scalar_prefetch = 0 : i64, scratch_operands = 6 : i64, tpu.core_type = #tpu.core_type<sc_vector_subcore>, window_params = [{transform_indices = #map}, {transform_indices = #map}, {transform_indices = #map}, {transform_indices = #map1}]} {
    %mul3A = arith.constant 2 : i32
    %mul3A_0 = arith.muli %arg1, %mul3A : i32
    %add3A = arith.addi %mul3A_0, %arg0 : i32
    %mul3A_1 = arith.constant 128 : i32
    %mul3A_2 = arith.muli %add3A, %mul3A_1 : i32
    "tpu.region"() ({
      %run_scoped3A_48 = tpu.sem_alloc : memref<!tpu.dma_semaphore, #tpu.memory_space<semaphore_mem>>
      tpu.enqueue_dma source(%arg3 : memref<200x64xf32, #tpu.memory_space<hbm>>) target(%arg8 : memref<200x64xf32, #tpu.memory_space<vmem>>) target_semaphore(%run_scoped3A_48 : memref<!tpu.dma_semaphore, #tpu.memory_space<semaphore_mem>>)
      tpu.wait_dma2 semaphore(%run_scoped3A_48 : memref<!tpu.dma_semaphore, #tpu.memory_space<semaphore_mem>>) src(%arg3 : memref<200x64xf32, #tpu.memory_space<hbm>>) dst(%arg8 : memref<200x64xf32, #tpu.memory_space<vmem>>)
      tpu.yield
    }) : () -> ()
    %run_scoped3A = arith.constant 0 : i32
    "tpu.region"() ({
      %run_scoped3A_48 = tpu.sem_alloc : memref<!tpu.dma_semaphore, #tpu.memory_space<semaphore_mem>>
      %dma_start3A_49 = arith.constant 0 : i32
      %dma_start3A_50 = arith.constant 0 : i32
      %dma_start3A_51 = tpu.memref_slice %arg6[%run_scoped3A, %dma_start3A_49, %dma_start3A_50] : memref<2x8x128xi32, #tpu.memory_space<vmem>> -> memref<1x8x128xi32, #tpu.memory_space<vmem>>
      %dma_start3A_52 = tpu.memref_squeeze %dma_start3A_51 : memref<1x8x128xi32, #tpu.memory_space<vmem>> -> memref<8x128xi32, #tpu.memory_space<vmem>>
      %dma_start3A_53 = arith.constant 0 : i32
      %dma_start3A_54 = tpu.memref_slice %arg2[%dma_start3A_53, %mul3A_2] : memref<200x4096xi32, #tpu.memory_space<hbm>> -> memref<8x128xi32, #tpu.memory_space<hbm>>
      %dma_start3A_55 = arith.constant 0 : i32
      %dma_start3A_56 = arith.constant 0 : i32
      %dma_start3A_57 = tpu.memref_slice %arg6[%run_scoped3A, %dma_start3A_55, %dma_start3A_56] : memref<2x8x128xi32, #tpu.memory_space<vmem>> -> memref<1x8x128xi32, #tpu.memory_space<vmem>>
      %dma_start3A_58 = tpu.memref_squeeze %dma_start3A_57 : memref<1x8x128xi32, #tpu.memory_space<vmem>> -> memref<8x128xi32, #tpu.memory_space<vmem>>
      %dma_start3A_59 = arith.constant 0 : i32
      %dma_start3A_60 = tpu.memref_slice %arg2[%dma_start3A_59, %mul3A_2] : memref<200x4096xi32, #tpu.memory_space<hbm>> -> memref<8x128xi32, #tpu.memory_space<hbm>>
      tpu.enqueue_dma source(%dma_start3A_60 : memref<8x128xi32, #tpu.memory_space<hbm>>) target(%dma_start3A_58 : memref<8x128xi32, #tpu.memory_space<vmem>>) target_semaphore(%run_scoped3A_48 : memref<!tpu.dma_semaphore, #tpu.memory_space<semaphore_mem>>)
      %dma_wait3A_61 = arith.constant 0 : i32
      %dma_wait3A_62 = arith.constant 0 : i32
      %dma_wait3A_63 = tpu.memref_slice %arg6[%run_scoped3A, %dma_wait3A_61, %dma_wait3A_62] : memref<2x8x128xi32, #tpu.memory_space<vmem>> -> memref<1x8x128xi32, #tpu.memory_space<vmem>>
      %dma_wait3A_64 = tpu.memref_squeeze %dma_wait3A_63 : memref<1x8x128xi32, #tpu.memory_space<vmem>> -> memref<8x128xi32, #tpu.memory_space<vmem>>
      %dma_wait3A_65 = arith.constant 0 : i32
      %dma_wait3A_66 = tpu.memref_slice %arg2[%dma_wait3A_65, %mul3A_2] : memref<200x4096xi32, #tpu.memory_space<hbm>> -> memref<8x128xi32, #tpu.memory_space<hbm>>
      %dma_wait3A_67 = arith.constant 0 : i32
      %dma_wait3A_68 = arith.constant 0 : i32
      %dma_wait3A_69 = tpu.memref_slice %arg6[%run_scoped3A, %dma_wait3A_67, %dma_wait3A_68] : memref<2x8x128xi32, #tpu.memory_space<vmem>> -> memref<1x8x128xi32, #tpu.memory_space<vmem>>
      %dma_wait3A_70 = tpu.memref_squeeze %dma_wait3A_69 : memref<1x8x128xi32, #tpu.memory_space<vmem>> -> memref<8x128xi32, #tpu.memory_space<vmem>>
      %dma_wait3A_71 = arith.constant 0 : i32
      %dma_wait3A_72 = tpu.memref_slice %arg2[%dma_wait3A_71, %mul3A_2] : memref<200x4096xi32, #tpu.memory_space<hbm>> -> memref<8x128xi32, #tpu.memory_space<hbm>>
      tpu.wait_dma2 semaphore(%run_scoped3A_48 : memref<!tpu.dma_semaphore, #tpu.memory_space<semaphore_mem>>) src(%dma_wait3A_72 : memref<8x128xi32, #tpu.memory_space<hbm>>) dst(%dma_wait3A_70 : memref<8x128xi32, #tpu.memory_space<vmem>>)
      tpu.yield
    }) : () -> ()
    %dma_start3A = arith.constant 1 : i32
    %dma_start3A_3 = arith.constant 0 : i32
    %dma_start3A_4 = arith.constant 0 : i32
    %dma_start3A_5 = tpu.memref_slice %arg6[%dma_start3A, %dma_start3A_3, %dma_start3A_4] : memref<2x8x128xi32, #tpu.memory_space<vmem>> -> memref<1x8x128xi32, #tpu.memory_space<vmem>>
    %dma_start3A_6 = tpu.memref_squeeze %dma_start3A_5 : memref<1x8x128xi32, #tpu.memory_space<vmem>> -> memref<8x128xi32, #tpu.memory_space<vmem>>
    %dma_start3A_7 = arith.constant 8 : i32
    %dma_start3A_8 = tpu.memref_slice %arg2[%dma_start3A_7, %mul3A_2] : memref<200x4096xi32, #tpu.memory_space<hbm>> -> memref<8x128xi32, #tpu.memory_space<hbm>>
    %dma_start3A_9 = arith.constant 0 : i32
    %dma_start3A_10 = arith.constant 0 : i32
    %dma_start3A_11 = tpu.memref_slice %arg6[%dma_start3A, %dma_start3A_9, %dma_start3A_10] : memref<2x8x128xi32, #tpu.memory_space<vmem>> -> memref<1x8x128xi32, #tpu.memory_space<vmem>>
    %dma_start3A_12 = tpu.memref_squeeze %dma_start3A_11 : memref<1x8x128xi32, #tpu.memory_space<vmem>> -> memref<8x128xi32, #tpu.memory_space<vmem>>
    %dma_start3A_13 = arith.constant 8 : i32
    %dma_start3A_14 = tpu.memref_slice %arg2[%dma_start3A_13, %mul3A_2] : memref<200x4096xi32, #tpu.memory_space<hbm>> -> memref<8x128xi32, #tpu.memory_space<hbm>>
    tpu.enqueue_dma source(%dma_start3A_14 : memref<8x128xi32, #tpu.memory_space<hbm>>) target(%dma_start3A_12 : memref<8x128xi32, #tpu.memory_space<vmem>>) target_semaphore(%arg9 : memref<!tpu.dma_semaphore, #tpu.memory_space<semaphore_mem>>)
    %dma_start3A_15 = arith.constant 0 : i32
    %dma_start3A_16 = arith.constant 0 : i32
    %dma_start3A_17 = arith.constant 0 : i32
    %dma_start3A_18 = arith.constant 0 : i32
    %dma_start3A_19 = arith.constant 0 : i32
    %dma_start3A_20 = tpu.memref_slice %arg7[%dma_start3A_17, %dma_start3A_18, %dma_start3A_19] : memref<2x128x128xf32, #tpu.memory_space<vmem>> -> memref<1x128x128xf32, #tpu.memory_space<vmem>>
    %dma_start3A_21 = tpu.memref_squeeze %dma_start3A_20 : memref<1x128x128xf32, #tpu.memory_space<vmem>> -> memref<128x128xf32, #tpu.memory_space<vmem>>
    %dma_start3A_22 = arith.constant 0 : i32
    %dma_start3A_23 = tpu.memref_slice %arg6[%dma_start3A_15, %dma_start3A_16, %dma_start3A_22] : memref<2x8x128xi32, #tpu.memory_space<vmem>> -> memref<1x1x128xi32, #tpu.memory_space<vmem>>
    %dma_start3A_24 = tpu.memref_squeeze %dma_start3A_23 : memref<1x1x128xi32, #tpu.memory_space<vmem>> -> memref<128xi32, #tpu.memory_space<vmem>>
    %dma_start3A_25 = arith.constant 0 : i32
    %dma_start3A_26 = arith.constant 0 : i32
    %dma_start3A_27 = tpu.memref_slice %arg4[%dma_start3A_25, %dma_start3A_26] : memref<1000000x128xf32, #tpu.memory_space<hbm>> -> memref<1000000x128xf32, #tpu.memory_space<hbm>>
    tpu.enqueue_indirect_dma source(%dma_start3A_27 : memref<1000000x128xf32, #tpu.memory_space<hbm>>) target(%dma_start3A_21 : memref<128x128xf32, #tpu.memory_space<vmem>>) offsets(%dma_start3A_24 : memref<128xi32, #tpu.memory_space<vmem>>) semaphore(%arg10 : memref<!tpu.dma_semaphore, #tpu.memory_space<semaphore_mem>>)
    %scan3A = arith.constant 0 : i32
    %scan3A_28 = arith.constant 0 : i32
    %scan3A_29 = arith.constant 100 : i32
    %scan3A_30 = arith.addi %scan3A_28, %scan3A_29 : i32
    %scan3A_31 = arith.constant 1 : i32
    scf.for %scan3A_48 = %scan3A_28 to %scan3A_30 step %scan3A_31  : i32 {
      %mul3A_49 = arith.constant 2 : i32
      %mul3A_50 = arith.muli %mul3A_49, %scan3A_48 : i32
      %add3A_51 = arith.constant 0 : i32
      %add3A_52 = arith.addi %mul3A_50, %add3A_51 : i32
      %ge3A = arith.constant 1 : i32
      %ge3A_53 = arith.cmpi sge, %add3A_52, %ge3A : i32
      %convert_element_type3A = arith.extui %ge3A_53 : i1 to i32
      %cond3A = arith.constant 0 : i32
      %cond3A_54 = arith.cmpi ne, %convert_element_type3A, %cond3A : i32
      scf.if %cond3A_54 {
        %sub3A_439 = arith.constant 1 : i32
        %sub3A_440 = arith.subi %add3A_52, %sub3A_439 : i32
        %dma_wait3A_441 = arith.constant 1 : i32
        %dma_wait3A_442 = arith.constant 0 : i32
        %dma_wait3A_443 = arith.constant 0 : i32
        %dma_wait3A_444 = tpu.memref_slice %arg7[%dma_wait3A_441, %dma_wait3A_442, %dma_wait3A_443] : memref<2x128x128xf32, #tpu.memory_space<vmem>> -> memref<1x128x128xf32, #tpu.memory_space<vmem>>
        %dma_wait3A_445 = tpu.memref_squeeze %dma_wait3A_444 : memref<1x128x128xf32, #tpu.memory_space<vmem>> -> memref<128x128xf32, #tpu.memory_space<vmem>>
        %dma_wait3A_446 = arith.constant 0 : i32
        %dma_wait3A_447 = tpu.memref_slice %arg5[%mul3A_2, %sub3A_440, %dma_wait3A_446] : memref<4096x200x128xf32, #tpu.memory_space<hbm>> -> memref<128x1x128xf32, #tpu.memory_space<hbm>>
        %dma_wait3A_448 = tpu.memref_squeeze %dma_wait3A_447 : memref<128x1x128xf32, #tpu.memory_space<hbm>> -> memref<128x128xf32, #tpu.memory_space<hbm>>
        %dma_wait3A_449 = arith.constant 0 : i32
        %dma_wait3A_450 = tpu.memref_slice %arg5[%mul3A_2, %sub3A_440, %dma_wait3A_449] : memref<4096x200x128xf32, #tpu.memory_space<hbm>> -> memref<128x1x128xf32, #tpu.memory_space<hbm>>
        %dma_wait3A_451 = tpu.memref_squeeze %dma_wait3A_450 : memref<128x1x128xf32, #tpu.memory_space<hbm>> -> memref<128x128xf32, #tpu.memory_space<hbm>>
        %dma_wait3A_452 = arith.constant 0 : i32
        %dma_wait3A_453 = arith.constant 0 : i32
        %dma_wait3A_454 = tpu.memref_slice %arg7[%dma_wait3A_441, %dma_wait3A_452, %dma_wait3A_453] : memref<2x128x128xf32, #tpu.memory_space<vmem>> -> memref<1x128x128xf32, #tpu.memory_space<vmem>>
        %dma_wait3A_455 = tpu.memref_squeeze %dma_wait3A_454 : memref<1x128x128xf32, #tpu.memory_space<vmem>> -> memref<128x128xf32, #tpu.memory_space<vmem>>
        tpu.wait_dma2 semaphore(%arg11 : memref<!tpu.dma_semaphore, #tpu.memory_space<semaphore_mem>>) src(%dma_wait3A_455 : memref<128x128xf32, #tpu.memory_space<vmem>>) dst(%dma_wait3A_451 : memref<128x128xf32, #tpu.memory_space<hbm>>)
      } else {
      }
      %add3A_55 = arith.constant 1 : i32
      %add3A_56 = arith.addi %add3A_52, %add3A_55 : i32
      %lt3A = arith.constant 200 : i32
      %lt3A_57 = arith.cmpi slt, %add3A_56, %lt3A : i32
      %add3A_58 = arith.constant 1 : i32
      %add3A_59 = arith.addi %add3A_52, %add3A_58 : i32
      %jit3A = arith.constant 8 : i32
      %eq3A = arith.constant 0 : i32
      %eq3A_60 = arith.cmpi eq, %jit3A, %eq3A : i32
      %jit3A_61 = arith.constant 1 : i32
      %select_n3A = arith.select %eq3A_60, %jit3A_61, %jit3A : i32
      %rem3A = arith.remsi %add3A_59, %select_n3A : i32
      %ne3A = arith.constant 0 : i32
      %ne3A_62 = arith.cmpi ne, %rem3A, %ne3A : i32
      %lt3A_63 = arith.constant 0 : i32
      %lt3A_64 = arith.cmpi slt, %rem3A, %lt3A_63 : i32
      %lt3A_65 = arith.constant 0 : i32
      %lt3A_66 = arith.cmpi slt, %select_n3A, %lt3A_65 : i32
      %ne3A_67 = arith.xori %lt3A_64, %lt3A_66 : i1
      %and3A = arith.andi %ne3A_67, %ne3A_62 : i1
      %add3A_68 = arith.addi %rem3A, %select_n3A : i32
      %select_n3A_69 = arith.select %and3A, %add3A_68, %rem3A : i32
      %eq3A_70 = arith.constant 0 : i32
      %eq3A_71 = arith.cmpi eq, %select_n3A_69, %eq3A_70 : i32
      %and3A_72 = arith.andi %lt3A_57, %eq3A_71 : i1
      %convert_element_type3A_73 = arith.extui %and3A_72 : i1 to i32
      %cond3A_74 = arith.constant 0 : i32
      %cond3A_75 = arith.cmpi ne, %convert_element_type3A_73, %cond3A_74 : i32
      scf.if %cond3A_75 {
        %add3A_439 = arith.constant 1 : i32
        %add3A_440 = arith.addi %add3A_52, %add3A_439 : i32
        %jit3A_441 = arith.constant 8 : i32
        %div3A_442 = arith.divsi %add3A_440, %jit3A_441 : i32
        %sign3A_443 = arith.constant 0 : i32
        %sign3A_444 = arith.cmpi sgt, %add3A_440, %sign3A_443 : i32
        %sign3A_445 = arith.extui %sign3A_444 : i1 to i32
        %sign3A_446 = arith.constant 0 : i32
        %sign3A_447 = arith.cmpi slt, %add3A_440, %sign3A_446 : i32
        %sign3A_448 = arith.extui %sign3A_447 : i1 to i32
        %sign3A_449 = arith.subi %sign3A_445, %sign3A_448 : i32
        %sign3A_450 = arith.constant 0 : i32
        %sign3A_451 = arith.cmpi sgt, %jit3A_441, %sign3A_450 : i32
        %sign3A_452 = arith.extui %sign3A_451 : i1 to i32
        %sign3A_453 = arith.constant 0 : i32
        %sign3A_454 = arith.cmpi slt, %jit3A_441, %sign3A_453 : i32
        %sign3A_455 = arith.extui %sign3A_454 : i1 to i32
        %sign3A_456 = arith.subi %sign3A_452, %sign3A_455 : i32
        %ne3A_457 = arith.cmpi ne, %sign3A_449, %sign3A_456 : i32
        %rem3A_458 = arith.remsi %add3A_440, %jit3A_441 : i32
        %ne3A_459 = arith.constant 0 : i32
        %ne3A_460 = arith.cmpi ne, %rem3A_458, %ne3A_459 : i32
        %and3A_461 = arith.andi %ne3A_457, %ne3A_460 : i1
        %sub3A_462 = arith.constant 1 : i32
        %sub3A_463 = arith.subi %div3A_442, %sub3A_462 : i32
        %select_n3A_464 = arith.select %and3A_461, %sub3A_463, %div3A_442 : i32
        %mul3A_465 = arith.constant 8 : i32
        %mul3A_466 = arith.muli %select_n3A_464, %mul3A_465 : i32
        %add3A_467 = arith.constant 1 : i32
        %add3A_468 = arith.addi %add3A_52, %add3A_467 : i32
        %jit3A_469 = arith.constant 8 : i32
        %div3A_470 = arith.divsi %add3A_468, %jit3A_469 : i32
        %sign3A_471 = arith.constant 0 : i32
        %sign3A_472 = arith.cmpi sgt, %add3A_468, %sign3A_471 : i32
        %sign3A_473 = arith.extui %sign3A_472 : i1 to i32
        %sign3A_474 = arith.constant 0 : i32
        %sign3A_475 = arith.cmpi slt, %add3A_468, %sign3A_474 : i32
        %sign3A_476 = arith.extui %sign3A_475 : i1 to i32
        %sign3A_477 = arith.subi %sign3A_473, %sign3A_476 : i32
        %sign3A_478 = arith.constant 0 : i32
        %sign3A_479 = arith.cmpi sgt, %jit3A_469, %sign3A_478 : i32
        %sign3A_480 = arith.extui %sign3A_479 : i1 to i32
        %sign3A_481 = arith.constant 0 : i32
        %sign3A_482 = arith.cmpi slt, %jit3A_469, %sign3A_481 : i32
        %sign3A_483 = arith.extui %sign3A_482 : i1 to i32
        %sign3A_484 = arith.subi %sign3A_480, %sign3A_483 : i32
        %ne3A_485 = arith.cmpi ne, %sign3A_477, %sign3A_484 : i32
        %rem3A_486 = arith.remsi %add3A_468, %jit3A_469 : i32
        %ne3A_487 = arith.constant 0 : i32
        %ne3A_488 = arith.cmpi ne, %rem3A_486, %ne3A_487 : i32
        %and3A_489 = arith.andi %ne3A_485, %ne3A_488 : i1
        %sub3A_490 = arith.constant 1 : i32
        %sub3A_491 = arith.subi %div3A_470, %sub3A_490 : i32
        %select_n3A_492 = arith.select %and3A_489, %sub3A_491, %div3A_470 : i32
        %jit3A_493 = arith.constant 2 : i32
        %eq3A_494 = arith.constant 0 : i32
        %eq3A_495 = arith.cmpi eq, %jit3A_493, %eq3A_494 : i32
        %jit3A_496 = arith.constant 1 : i32
        %select_n3A_497 = arith.select %eq3A_495, %jit3A_496, %jit3A_493 : i32
        %rem3A_498 = arith.remsi %select_n3A_492, %select_n3A_497 : i32
        %ne3A_499 = arith.constant 0 : i32
        %ne3A_500 = arith.cmpi ne, %rem3A_498, %ne3A_499 : i32
        %lt3A_501 = arith.constant 0 : i32
        %lt3A_502 = arith.cmpi slt, %rem3A_498, %lt3A_501 : i32
        %lt3A_503 = arith.constant 0 : i32
        %lt3A_504 = arith.cmpi slt, %select_n3A_497, %lt3A_503 : i32
        %ne3A_505 = arith.xori %lt3A_502, %lt3A_504 : i1
        %and3A_506 = arith.andi %ne3A_505, %ne3A_500 : i1
        %add3A_507 = arith.addi %rem3A_498, %select_n3A_497 : i32
        %select_n3A_508 = arith.select %and3A_506, %add3A_507, %rem3A_498 : i32
        %dma_wait3A_509 = arith.constant 0 : i32
        %dma_wait3A_510 = arith.constant 0 : i32
        %dma_wait3A_511 = tpu.memref_slice %arg6[%select_n3A_508, %dma_wait3A_509, %dma_wait3A_510] : memref<2x8x128xi32, #tpu.memory_space<vmem>> -> memref<1x8x128xi32, #tpu.memory_space<vmem>>
        %dma_wait3A_512 = tpu.memref_squeeze %dma_wait3A_511 : memref<1x8x128xi32, #tpu.memory_space<vmem>> -> memref<8x128xi32, #tpu.memory_space<vmem>>
        %dma_wait3A_513 = tpu.memref_slice %arg2[%mul3A_466, %mul3A_2] : memref<200x4096xi32, #tpu.memory_space<hbm>> -> memref<8x128xi32, #tpu.memory_space<hbm>>
        %dma_wait3A_514 = arith.constant 0 : i32
        %dma_wait3A_515 = arith.constant 0 : i32
        %dma_wait3A_516 = tpu.memref_slice %arg6[%select_n3A_508, %dma_wait3A_514, %dma_wait3A_515] : memref<2x8x128xi32, #tpu.memory_space<vmem>> -> memref<1x8x128xi32, #tpu.memory_space<vmem>>
        %dma_wait3A_517 = tpu.memref_squeeze %dma_wait3A_516 : memref<1x8x128xi32, #tpu.memory_space<vmem>> -> memref<8x128xi32, #tpu.memory_space<vmem>>
        %dma_wait3A_518 = tpu.memref_slice %arg2[%mul3A_466, %mul3A_2] : memref<200x4096xi32, #tpu.memory_space<hbm>> -> memref<8x128xi32, #tpu.memory_space<hbm>>
        tpu.wait_dma2 semaphore(%arg9 : memref<!tpu.dma_semaphore, #tpu.memory_space<semaphore_mem>>) src(%dma_wait3A_518 : memref<8x128xi32, #tpu.memory_space<hbm>>) dst(%dma_wait3A_517 : memref<8x128xi32, #tpu.memory_space<vmem>>)
      } else {
      }
      %jit3A_76 = arith.constant 8 : i32
      %div3A = arith.divsi %add3A_52, %jit3A_76 : i32
      %sign3A = arith.constant 0 : i32
      %sign3A_77 = arith.cmpi sgt, %add3A_52, %sign3A : i32
      %sign3A_78 = arith.extui %sign3A_77 : i1 to i32
      %sign3A_79 = arith.constant 0 : i32
      %sign3A_80 = arith.cmpi slt, %add3A_52, %sign3A_79 : i32
      %sign3A_81 = arith.extui %sign3A_80 : i1 to i32
      %sign3A_82 = arith.subi %sign3A_78, %sign3A_81 : i32
      %sign3A_83 = arith.constant 0 : i32
      %sign3A_84 = arith.cmpi sgt, %jit3A_76, %sign3A_83 : i32
      %sign3A_85 = arith.extui %sign3A_84 : i1 to i32
      %sign3A_86 = arith.constant 0 : i32
      %sign3A_87 = arith.cmpi slt, %jit3A_76, %sign3A_86 : i32
      %sign3A_88 = arith.extui %sign3A_87 : i1 to i32
      %sign3A_89 = arith.subi %sign3A_85, %sign3A_88 : i32
      %ne3A_90 = arith.cmpi ne, %sign3A_82, %sign3A_89 : i32
      %rem3A_91 = arith.remsi %add3A_52, %jit3A_76 : i32
      %ne3A_92 = arith.constant 0 : i32
      %ne3A_93 = arith.cmpi ne, %rem3A_91, %ne3A_92 : i32
      %and3A_94 = arith.andi %ne3A_90, %ne3A_93 : i1
      %sub3A = arith.constant 1 : i32
      %sub3A_95 = arith.subi %div3A, %sub3A : i32
      %select_n3A_96 = arith.select %and3A_94, %sub3A_95, %div3A : i32
      %jit3A_97 = arith.constant 2 : i32
      %eq3A_98 = arith.constant 0 : i32
      %eq3A_99 = arith.cmpi eq, %jit3A_97, %eq3A_98 : i32
      %jit3A_100 = arith.constant 1 : i32
      %select_n3A_101 = arith.select %eq3A_99, %jit3A_100, %jit3A_97 : i32
      %rem3A_102 = arith.remsi %select_n3A_96, %select_n3A_101 : i32
      %ne3A_103 = arith.constant 0 : i32
      %ne3A_104 = arith.cmpi ne, %rem3A_102, %ne3A_103 : i32
      %lt3A_105 = arith.constant 0 : i32
      %lt3A_106 = arith.cmpi slt, %rem3A_102, %lt3A_105 : i32
      %lt3A_107 = arith.constant 0 : i32
      %lt3A_108 = arith.cmpi slt, %select_n3A_101, %lt3A_107 : i32
      %ne3A_109 = arith.xori %lt3A_106, %lt3A_108 : i1
      %and3A_110 = arith.andi %ne3A_109, %ne3A_104 : i1
      %add3A_111 = arith.addi %rem3A_102, %select_n3A_101 : i32
      %select_n3A_112 = arith.select %and3A_110, %add3A_111, %rem3A_102 : i32
      %jit3A_113 = arith.constant 8 : i32
      %eq3A_114 = arith.constant 0 : i32
      %eq3A_115 = arith.cmpi eq, %jit3A_113, %eq3A_114 : i32
      %jit3A_116 = arith.constant 1 : i32
      %select_n3A_117 = arith.select %eq3A_115, %jit3A_116, %jit3A_113 : i32
      %rem3A_118 = arith.remsi %add3A_52, %select_n3A_117 : i32
      %ne3A_119 = arith.constant 0 : i32
      %ne3A_120 = arith.cmpi ne, %rem3A_118, %ne3A_119 : i32
      %lt3A_121 = arith.constant 0 : i32
      %lt3A_122 = arith.cmpi slt, %rem3A_118, %lt3A_121 : i32
      %lt3A_123 = arith.constant 0 : i32
      %lt3A_124 = arith.cmpi slt, %select_n3A_117, %lt3A_123 : i32
      %ne3A_125 = arith.xori %lt3A_122, %lt3A_124 : i1
      %and3A_126 = arith.andi %ne3A_125, %ne3A_120 : i1
      %add3A_127 = arith.addi %rem3A_118, %select_n3A_117 : i32
      %select_n3A_128 = arith.select %and3A_126, %add3A_127, %rem3A_118 : i32
      %dma_wait3A_129 = arith.constant 0 : i32
      %dma_wait3A_130 = arith.constant 0 : i32
      %dma_wait3A_131 = arith.constant 0 : i32
      %dma_wait3A_132 = tpu.memref_slice %arg7[%dma_wait3A_129, %dma_wait3A_130, %dma_wait3A_131] : memref<2x128x128xf32, #tpu.memory_space<vmem>> -> memref<1x128x128xf32, #tpu.memory_space<vmem>>
      %dma_wait3A_133 = tpu.memref_squeeze %dma_wait3A_132 : memref<1x128x128xf32, #tpu.memory_space<vmem>> -> memref<128x128xf32, #tpu.memory_space<vmem>>
      %dma_wait3A_134 = arith.constant 0 : i32
      %dma_wait3A_135 = tpu.memref_slice %arg6[%select_n3A_112, %select_n3A_128, %dma_wait3A_134] : memref<2x8x128xi32, #tpu.memory_space<vmem>> -> memref<1x1x128xi32, #tpu.memory_space<vmem>>
      %dma_wait3A_136 = tpu.memref_squeeze %dma_wait3A_135 : memref<1x1x128xi32, #tpu.memory_space<vmem>> -> memref<128xi32, #tpu.memory_space<vmem>>
      %dma_wait3A_137 = arith.constant 0 : i32
      %dma_wait3A_138 = arith.constant 0 : i32
      %dma_wait3A_139 = tpu.memref_slice %arg4[%dma_wait3A_137, %dma_wait3A_138] : memref<1000000x128xf32, #tpu.memory_space<hbm>> -> memref<1000000x128xf32, #tpu.memory_space<hbm>>
      tpu.wait_indirect_dma semaphore(%arg10 : memref<!tpu.dma_semaphore, #tpu.memory_space<semaphore_mem>>) src(%dma_wait3A_139 : memref<1000000x128xf32, #tpu.memory_space<hbm>>) dst(%dma_wait3A_133 : memref<128x128xf32, #tpu.memory_space<vmem>>)
      %add3A_140 = arith.constant 1 : i32
      %add3A_141 = arith.addi %add3A_52, %add3A_140 : i32
      %lt3A_142 = arith.constant 200 : i32
      %lt3A_143 = arith.cmpi slt, %add3A_141, %lt3A_142 : i32
      %convert_element_type3A_144 = arith.extui %lt3A_143 : i1 to i32
      %cond3A_145 = arith.constant 0 : i32
      %cond3A_146 = arith.cmpi ne, %convert_element_type3A_144, %cond3A_145 : i32
      scf.if %cond3A_146 {
        %add3A_439 = arith.constant 1 : i32
        %add3A_440 = arith.addi %add3A_52, %add3A_439 : i32
        %jit3A_441 = arith.constant 8 : i32
        %div3A_442 = arith.divsi %add3A_440, %jit3A_441 : i32
        %sign3A_443 = arith.constant 0 : i32
        %sign3A_444 = arith.cmpi sgt, %add3A_440, %sign3A_443 : i32
        %sign3A_445 = arith.extui %sign3A_444 : i1 to i32
        %sign3A_446 = arith.constant 0 : i32
        %sign3A_447 = arith.cmpi slt, %add3A_440, %sign3A_446 : i32
        %sign3A_448 = arith.extui %sign3A_447 : i1 to i32
        %sign3A_449 = arith.subi %sign3A_445, %sign3A_448 : i32
        %sign3A_450 = arith.constant 0 : i32
        %sign3A_451 = arith.cmpi sgt, %jit3A_441, %sign3A_450 : i32
        %sign3A_452 = arith.extui %sign3A_451 : i1 to i32
        %sign3A_453 = arith.constant 0 : i32
        %sign3A_454 = arith.cmpi slt, %jit3A_441, %sign3A_453 : i32
        %sign3A_455 = arith.extui %sign3A_454 : i1 to i32
        %sign3A_456 = arith.subi %sign3A_452, %sign3A_455 : i32
        %ne3A_457 = arith.cmpi ne, %sign3A_449, %sign3A_456 : i32
        %rem3A_458 = arith.remsi %add3A_440, %jit3A_441 : i32
        %ne3A_459 = arith.constant 0 : i32
        %ne3A_460 = arith.cmpi ne, %rem3A_458, %ne3A_459 : i32
        %and3A_461 = arith.andi %ne3A_457, %ne3A_460 : i1
        %sub3A_462 = arith.constant 1 : i32
        %sub3A_463 = arith.subi %div3A_442, %sub3A_462 : i32
        %select_n3A_464 = arith.select %and3A_461, %sub3A_463, %div3A_442 : i32
        %jit3A_465 = arith.constant 2 : i32
        %eq3A_466 = arith.constant 0 : i32
        %eq3A_467 = arith.cmpi eq, %jit3A_465, %eq3A_466 : i32
        %jit3A_468 = arith.constant 1 : i32
        %select_n3A_469 = arith.select %eq3A_467, %jit3A_468, %jit3A_465 : i32
        %rem3A_470 = arith.remsi %select_n3A_464, %select_n3A_469 : i32
        %ne3A_471 = arith.constant 0 : i32
        %ne3A_472 = arith.cmpi ne, %rem3A_470, %ne3A_471 : i32
        %lt3A_473 = arith.constant 0 : i32
        %lt3A_474 = arith.cmpi slt, %rem3A_470, %lt3A_473 : i32
        %lt3A_475 = arith.constant 0 : i32
        %lt3A_476 = arith.cmpi slt, %select_n3A_469, %lt3A_475 : i32
        %ne3A_477 = arith.xori %lt3A_474, %lt3A_476 : i1
        %and3A_478 = arith.andi %ne3A_477, %ne3A_472 : i1
        %add3A_479 = arith.addi %rem3A_470, %select_n3A_469 : i32
        %select_n3A_480 = arith.select %and3A_478, %add3A_479, %rem3A_470 : i32
        %jit3A_481 = arith.constant 8 : i32
        %eq3A_482 = arith.constant 0 : i32
        %eq3A_483 = arith.cmpi eq, %jit3A_481, %eq3A_482 : i32
        %jit3A_484 = arith.constant 1 : i32
        %select_n3A_485 = arith.select %eq3A_483, %jit3A_484, %jit3A_481 : i32
        %rem3A_486 = arith.remsi %add3A_440, %select_n3A_485 : i32
        %ne3A_487 = arith.constant 0 : i32
        %ne3A_488 = arith.cmpi ne, %rem3A_486, %ne3A_487 : i32
        %lt3A_489 = arith.constant 0 : i32
        %lt3A_490 = arith.cmpi slt, %rem3A_486, %lt3A_489 : i32
        %lt3A_491 = arith.constant 0 : i32
        %lt3A_492 = arith.cmpi slt, %select_n3A_485, %lt3A_491 : i32
        %ne3A_493 = arith.xori %lt3A_490, %lt3A_492 : i1
        %and3A_494 = arith.andi %ne3A_493, %ne3A_488 : i1
        %add3A_495 = arith.addi %rem3A_486, %select_n3A_485 : i32
        %select_n3A_496 = arith.select %and3A_494, %add3A_495, %rem3A_486 : i32
        %dma_start3A_497 = arith.constant 1 : i32
        %dma_start3A_498 = arith.constant 0 : i32
        %dma_start3A_499 = arith.constant 0 : i32
        %dma_start3A_500 = tpu.memref_slice %arg7[%dma_start3A_497, %dma_start3A_498, %dma_start3A_499] : memref<2x128x128xf32, #tpu.memory_space<vmem>> -> memref<1x128x128xf32, #tpu.memory_space<vmem>>
        %dma_start3A_501 = tpu.memref_squeeze %dma_start3A_500 : memref<1x128x128xf32, #tpu.memory_space<vmem>> -> memref<128x128xf32, #tpu.memory_space<vmem>>
        %dma_start3A_502 = arith.constant 0 : i32
        %dma_start3A_503 = tpu.memref_slice %arg6[%select_n3A_480, %select_n3A_496, %dma_start3A_502] : memref<2x8x128xi32, #tpu.memory_space<vmem>> -> memref<1x1x128xi32, #tpu.memory_space<vmem>>
        %dma_start3A_504 = tpu.memref_squeeze %dma_start3A_503 : memref<1x1x128xi32, #tpu.memory_space<vmem>> -> memref<128xi32, #tpu.memory_space<vmem>>
        %dma_start3A_505 = arith.constant 0 : i32
        %dma_start3A_506 = arith.constant 0 : i32
        %dma_start3A_507 = tpu.memref_slice %arg4[%dma_start3A_505, %dma_start3A_506] : memref<1000000x128xf32, #tpu.memory_space<hbm>> -> memref<1000000x128xf32, #tpu.memory_space<hbm>>
        tpu.enqueue_indirect_dma source(%dma_start3A_507 : memref<1000000x128xf32, #tpu.memory_space<hbm>>) target(%dma_start3A_501 : memref<128x128xf32, #tpu.memory_space<vmem>>) offsets(%dma_start3A_504 : memref<128xi32, #tpu.memory_space<vmem>>) semaphore(%arg10 : memref<!tpu.dma_semaphore, #tpu.memory_space<semaphore_mem>>)
      } else {
      }
      %add3A_147 = arith.constant 1 : i32
      %add3A_148 = arith.addi %add3A_52, %add3A_147 : i32
      %jit3A_149 = arith.constant 8 : i32
      %eq3A_150 = arith.constant 0 : i32
      %eq3A_151 = arith.cmpi eq, %jit3A_149, %eq3A_150 : i32
      %jit3A_152 = arith.constant 1 : i32
      %select_n3A_153 = arith.select %eq3A_151, %jit3A_152, %jit3A_149 : i32
      %rem3A_154 = arith.remsi %add3A_148, %select_n3A_153 : i32
      %ne3A_155 = arith.constant 0 : i32
      %ne3A_156 = arith.cmpi ne, %rem3A_154, %ne3A_155 : i32
      %lt3A_157 = arith.constant 0 : i32
      %lt3A_158 = arith.cmpi slt, %rem3A_154, %lt3A_157 : i32
      %lt3A_159 = arith.constant 0 : i32
      %lt3A_160 = arith.cmpi slt, %select_n3A_153, %lt3A_159 : i32
      %ne3A_161 = arith.xori %lt3A_158, %lt3A_160 : i1
      %and3A_162 = arith.andi %ne3A_161, %ne3A_156 : i1
      %add3A_163 = arith.addi %rem3A_154, %select_n3A_153 : i32
      %select_n3A_164 = arith.select %and3A_162, %add3A_163, %rem3A_154 : i32
      %eq3A_165 = arith.constant 0 : i32
      %eq3A_166 = arith.cmpi eq, %select_n3A_164, %eq3A_165 : i32
      %add3A_167 = arith.constant 1 : i32
      %add3A_168 = arith.addi %add3A_52, %add3A_167 : i32
      %jit3A_169 = arith.constant 8 : i32
      %div3A_170 = arith.divsi %add3A_168, %jit3A_169 : i32
      %sign3A_171 = arith.constant 0 : i32
      %sign3A_172 = arith.cmpi sgt, %add3A_168, %sign3A_171 : i32
      %sign3A_173 = arith.extui %sign3A_172 : i1 to i32
      %sign3A_174 = arith.constant 0 : i32
      %sign3A_175 = arith.cmpi slt, %add3A_168, %sign3A_174 : i32
      %sign3A_176 = arith.extui %sign3A_175 : i1 to i32
      %sign3A_177 = arith.subi %sign3A_173, %sign3A_176 : i32
      %sign3A_178 = arith.constant 0 : i32
      %sign3A_179 = arith.cmpi sgt, %jit3A_169, %sign3A_178 : i32
      %sign3A_180 = arith.extui %sign3A_179 : i1 to i32
      %sign3A_181 = arith.constant 0 : i32
      %sign3A_182 = arith.cmpi slt, %jit3A_169, %sign3A_181 : i32
      %sign3A_183 = arith.extui %sign3A_182 : i1 to i32
      %sign3A_184 = arith.subi %sign3A_180, %sign3A_183 : i32
      %ne3A_185 = arith.cmpi ne, %sign3A_177, %sign3A_184 : i32
      %rem3A_186 = arith.remsi %add3A_168, %jit3A_169 : i32
      %ne3A_187 = arith.constant 0 : i32
      %ne3A_188 = arith.cmpi ne, %rem3A_186, %ne3A_187 : i32
      %and3A_189 = arith.andi %ne3A_185, %ne3A_188 : i1
      %sub3A_190 = arith.constant 1 : i32
      %sub3A_191 = arith.subi %div3A_170, %sub3A_190 : i32
      %select_n3A_192 = arith.select %and3A_189, %sub3A_191, %div3A_170 : i32
      %add3A_193 = arith.constant 1 : i32
      %add3A_194 = arith.addi %select_n3A_192, %add3A_193 : i32
      %lt3A_195 = arith.constant 25 : i32
      %lt3A_196 = arith.cmpi slt, %add3A_194, %lt3A_195 : i32
      %and3A_197 = arith.andi %eq3A_166, %lt3A_196 : i1
      %convert_element_type3A_198 = arith.extui %and3A_197 : i1 to i32
      %cond3A_199 = arith.constant 0 : i32
      %cond3A_200 = arith.cmpi ne, %convert_element_type3A_198, %cond3A_199 : i32
      scf.if %cond3A_200 {
        %add3A_439 = arith.constant 1 : i32
        %add3A_440 = arith.addi %add3A_52, %add3A_439 : i32
        %jit3A_441 = arith.constant 8 : i32
        %div3A_442 = arith.divsi %add3A_440, %jit3A_441 : i32
        %sign3A_443 = arith.constant 0 : i32
        %sign3A_444 = arith.cmpi sgt, %add3A_440, %sign3A_443 : i32
        %sign3A_445 = arith.extui %sign3A_444 : i1 to i32
        %sign3A_446 = arith.constant 0 : i32
        %sign3A_447 = arith.cmpi slt, %add3A_440, %sign3A_446 : i32
        %sign3A_448 = arith.extui %sign3A_447 : i1 to i32
        %sign3A_449 = arith.subi %sign3A_445, %sign3A_448 : i32
        %sign3A_450 = arith.constant 0 : i32
        %sign3A_451 = arith.cmpi sgt, %jit3A_441, %sign3A_450 : i32
        %sign3A_452 = arith.extui %sign3A_451 : i1 to i32
        %sign3A_453 = arith.constant 0 : i32
        %sign3A_454 = arith.cmpi slt, %jit3A_441, %sign3A_453 : i32
        %sign3A_455 = arith.extui %sign3A_454 : i1 to i32
        %sign3A_456 = arith.subi %sign3A_452, %sign3A_455 : i32
        %ne3A_457 = arith.cmpi ne, %sign3A_449, %sign3A_456 : i32
        %rem3A_458 = arith.remsi %add3A_440, %jit3A_441 : i32
        %ne3A_459 = arith.constant 0 : i32
        %ne3A_460 = arith.cmpi ne, %rem3A_458, %ne3A_459 : i32
        %and3A_461 = arith.andi %ne3A_457, %ne3A_460 : i1
        %sub3A_462 = arith.constant 1 : i32
        %sub3A_463 = arith.subi %div3A_442, %sub3A_462 : i32
        %select_n3A_464 = arith.select %and3A_461, %sub3A_463, %div3A_442 : i32
        %add3A_465 = arith.constant 1 : i32
        %add3A_466 = arith.addi %select_n3A_464, %add3A_465 : i32
        %mul3A_467 = arith.constant 8 : i32
        %mul3A_468 = arith.muli %add3A_466, %mul3A_467 : i32
        %jit3A_469 = arith.constant 8 : i32
        %div3A_470 = arith.divsi %add3A_52, %jit3A_469 : i32
        %sign3A_471 = arith.constant 0 : i32
        %sign3A_472 = arith.cmpi sgt, %add3A_52, %sign3A_471 : i32
        %sign3A_473 = arith.extui %sign3A_472 : i1 to i32
        %sign3A_474 = arith.constant 0 : i32
        %sign3A_475 = arith.cmpi slt, %add3A_52, %sign3A_474 : i32
        %sign3A_476 = arith.extui %sign3A_475 : i1 to i32
        %sign3A_477 = arith.subi %sign3A_473, %sign3A_476 : i32
        %sign3A_478 = arith.constant 0 : i32
        %sign3A_479 = arith.cmpi sgt, %jit3A_469, %sign3A_478 : i32
        %sign3A_480 = arith.extui %sign3A_479 : i1 to i32
        %sign3A_481 = arith.constant 0 : i32
        %sign3A_482 = arith.cmpi slt, %jit3A_469, %sign3A_481 : i32
        %sign3A_483 = arith.extui %sign3A_482 : i1 to i32
        %sign3A_484 = arith.subi %sign3A_480, %sign3A_483 : i32
        %ne3A_485 = arith.cmpi ne, %sign3A_477, %sign3A_484 : i32
        %rem3A_486 = arith.remsi %add3A_52, %jit3A_469 : i32
        %ne3A_487 = arith.constant 0 : i32
        %ne3A_488 = arith.cmpi ne, %rem3A_486, %ne3A_487 : i32
        %and3A_489 = arith.andi %ne3A_485, %ne3A_488 : i1
        %sub3A_490 = arith.constant 1 : i32
        %sub3A_491 = arith.subi %div3A_470, %sub3A_490 : i32
        %select_n3A_492 = arith.select %and3A_489, %sub3A_491, %div3A_470 : i32
        %jit3A_493 = arith.constant 2 : i32
        %eq3A_494 = arith.constant 0 : i32
        %eq3A_495 = arith.cmpi eq, %jit3A_493, %eq3A_494 : i32
        %jit3A_496 = arith.constant 1 : i32
        %select_n3A_497 = arith.select %eq3A_495, %jit3A_496, %jit3A_493 : i32
        %rem3A_498 = arith.remsi %select_n3A_492, %select_n3A_497 : i32
        %ne3A_499 = arith.constant 0 : i32
        %ne3A_500 = arith.cmpi ne, %rem3A_498, %ne3A_499 : i32
        %lt3A_501 = arith.constant 0 : i32
        %lt3A_502 = arith.cmpi slt, %rem3A_498, %lt3A_501 : i32
        %lt3A_503 = arith.constant 0 : i32
        %lt3A_504 = arith.cmpi slt, %select_n3A_497, %lt3A_503 : i32
        %ne3A_505 = arith.xori %lt3A_502, %lt3A_504 : i1
        %and3A_506 = arith.andi %ne3A_505, %ne3A_500 : i1
        %add3A_507 = arith.addi %rem3A_498, %select_n3A_497 : i32
        %select_n3A_508 = arith.select %and3A_506, %add3A_507, %rem3A_498 : i32
        %dma_start3A_509 = arith.constant 0 : i32
        %dma_start3A_510 = arith.constant 0 : i32
        %dma_start3A_511 = tpu.memref_slice %arg6[%select_n3A_508, %dma_start3A_509, %dma_start3A_510] : memref<2x8x128xi32, #tpu.memory_space<vmem>> -> memref<1x8x128xi32, #tpu.memory_space<vmem>>
        %dma_start3A_512 = tpu.memref_squeeze %dma_start3A_511 : memref<1x8x128xi32, #tpu.memory_space<vmem>> -> memref<8x128xi32, #tpu.memory_space<vmem>>
        %dma_start3A_513 = tpu.memref_slice %arg2[%mul3A_468, %mul3A_2] : memref<200x4096xi32, #tpu.memory_space<hbm>> -> memref<8x128xi32, #tpu.memory_space<hbm>>
        %dma_start3A_514 = arith.constant 0 : i32
        %dma_start3A_515 = arith.constant 0 : i32
        %dma_start3A_516 = tpu.memref_slice %arg6[%select_n3A_508, %dma_start3A_514, %dma_start3A_515] : memref<2x8x128xi32, #tpu.memory_space<vmem>> -> memref<1x8x128xi32, #tpu.memory_space<vmem>>
        %dma_start3A_517 = tpu.memref_squeeze %dma_start3A_516 : memref<1x8x128xi32, #tpu.memory_space<vmem>> -> memref<8x128xi32, #tpu.memory_space<vmem>>
        %dma_start3A_518 = tpu.memref_slice %arg2[%mul3A_468, %mul3A_2] : memref<200x4096xi32, #tpu.memory_space<hbm>> -> memref<8x128xi32, #tpu.memory_space<hbm>>
        tpu.enqueue_dma source(%dma_start3A_518 : memref<8x128xi32, #tpu.memory_space<hbm>>) target(%dma_start3A_517 : memref<8x128xi32, #tpu.memory_space<vmem>>) target_semaphore(%arg9 : memref<!tpu.dma_semaphore, #tpu.memory_space<semaphore_mem>>)
      } else {
      }
      %get3A = arith.index_cast %add3A_52 : i32 to index
      %get3A_201 = arith.constant 0 : index
      %get3A_202 = tpu.vector_load %arg8[%get3A, %get3A_201] {strides = array<i32>} : memref<200x64xf32, #tpu.memory_space<vmem>>, vector<1x16xf32>,
      %get3A_203 = vector.shape_cast %get3A_202 : vector<1x16xf32> to vector<16xf32>
      %get3A_204 = arith.index_cast %add3A_52 : i32 to index
      %get3A_205 = arith.constant 16 : index
      %get3A_206 = tpu.vector_load %arg8[%get3A_204, %get3A_205] {strides = array<i32>} : memref<200x64xf32, #tpu.memory_space<vmem>>, vector<1x16xf32>,
      %get3A_207 = vector.shape_cast %get3A_206 : vector<1x16xf32> to vector<16xf32>
      %get3A_208 = arith.index_cast %add3A_52 : i32 to index
      %get3A_209 = arith.constant 32 : index
      %get3A_210 = tpu.vector_load %arg8[%get3A_208, %get3A_209] {strides = array<i32>} : memref<200x64xf32, #tpu.memory_space<vmem>>, vector<1x16xf32>,
      %get3A_211 = vector.shape_cast %get3A_210 : vector<1x16xf32> to vector<16xf32>
      %get3A_212 = arith.index_cast %add3A_52 : i32 to index
      %get3A_213 = arith.constant 48 : index
      %get3A_214 = tpu.vector_load %arg8[%get3A_212, %get3A_213] {strides = array<i32>} : memref<200x64xf32, #tpu.memory_space<vmem>>, vector<1x16xf32>,
      %get3A_215 = vector.shape_cast %get3A_214 : vector<1x16xf32> to vector<16xf32>
      %scan3A_216 = arith.constant 0 : i32
      %scan3A_217 = arith.constant 0 : i32
      %scan3A_218 = arith.constant 64 : i32
      %scan3A_219 = arith.addi %scan3A_217, %scan3A_218 : i32
      %scan3A_220 = arith.constant 1 : i32
      scf.for %scan3A_439 = %scan3A_217 to %scan3A_219 step %scan3A_220  : i32 {
        %mul3A_440 = arith.constant 2 : i32
        %mul3A_441 = arith.muli %mul3A_440, %scan3A_439 : i32
        %add3A_442 = arith.constant 0 : i32
        %add3A_443 = arith.addi %mul3A_441, %add3A_442 : i32
        %get3A_444 = arith.constant 0 : i32
        %get3A_445 = arith.index_cast %get3A_444 : i32 to index
        %get3A_446 = arith.index_cast %add3A_443 : i32 to index
        %get3A_447 = arith.constant 0 : index
        %get3A_448 = tpu.vector_load %arg7[%get3A_445, %get3A_446, %get3A_447] {strides = array<i32>} : memref<2x128x128xf32, #tpu.memory_space<vmem>>, vector<1x1x16xf32>,
        %get3A_449 = vector.shape_cast %get3A_448 : vector<1x1x16xf32> to vector<16xf32>
        %add3A_450 = arith.addf %get3A_449, %get3A_203 : vector<16xf32>
        %swap3A = arith.constant 0 : i32
        %swap3A_451 = arith.index_cast %swap3A : i32 to index
        %swap3A_452 = arith.index_cast %add3A_443 : i32 to index
        %swap3A_453 = arith.constant 0 : index
        %swap3A_454 = tpu.vector_load %arg7[%swap3A_451, %swap3A_452, %swap3A_453] {strides = array<i32>} : memref<2x128x128xf32, #tpu.memory_space<vmem>>, vector<1x1x16xf32>,
        %swap3A_455 = vector.shape_cast %swap3A_454 : vector<1x1x16xf32> to vector<16xf32>
        %swap3A_456 = vector.shape_cast %add3A_450 : vector<16xf32> to vector<1x1x16xf32>
        tpu.vector_store %arg7[%swap3A_451, %swap3A_452, %swap3A_453], %swap3A_456 {strides = array<i32>} : memref<2x128x128xf32, #tpu.memory_space<vmem>>, vector<1x1x16xf32>,
        %mul3A_457 = arith.constant 2 : i32
        %mul3A_458 = arith.muli %mul3A_457, %scan3A_439 : i32
        %add3A_459 = arith.constant 0 : i32
        %add3A_460 = arith.addi %mul3A_458, %add3A_459 : i32
        %get3A_461 = arith.constant 0 : i32
        %get3A_462 = arith.index_cast %get3A_461 : i32 to index
        %get3A_463 = arith.index_cast %add3A_460 : i32 to index
        %get3A_464 = arith.constant 16 : index
        %get3A_465 = tpu.vector_load %arg7[%get3A_462, %get3A_463, %get3A_464] {strides = array<i32>} : memref<2x128x128xf32, #tpu.memory_space<vmem>>, vector<1x1x16xf32>,
        %get3A_466 = vector.shape_cast %get3A_465 : vector<1x1x16xf32> to vector<16xf32>
        %add3A_467 = arith.addf %get3A_466, %get3A_207 : vector<16xf32>
        %swap3A_468 = arith.constant 0 : i32
        %swap3A_469 = arith.index_cast %swap3A_468 : i32 to index
        %swap3A_470 = arith.index_cast %add3A_460 : i32 to index
        %swap3A_471 = arith.constant 16 : index
        %swap3A_472 = tpu.vector_load %arg7[%swap3A_469, %swap3A_470, %swap3A_471] {strides = array<i32>} : memref<2x128x128xf32, #tpu.memory_space<vmem>>, vector<1x1x16xf32>,
        %swap3A_473 = vector.shape_cast %swap3A_472 : vector<1x1x16xf32> to vector<16xf32>
        %swap3A_474 = vector.shape_cast %add3A_467 : vector<16xf32> to vector<1x1x16xf32>
        tpu.vector_store %arg7[%swap3A_469, %swap3A_470, %swap3A_471], %swap3A_474 {strides = array<i32>} : memref<2x128x128xf32, #tpu.memory_space<vmem>>, vector<1x1x16xf32>,
        %mul3A_475 = arith.constant 2 : i32
        %mul3A_476 = arith.muli %mul3A_475, %scan3A_439 : i32
        %add3A_477 = arith.constant 0 : i32
        %add3A_478 = arith.addi %mul3A_476, %add3A_477 : i32
        %get3A_479 = arith.constant 0 : i32
        %get3A_480 = arith.index_cast %get3A_479 : i32 to index
        %get3A_481 = arith.index_cast %add3A_478 : i32 to index
        %get3A_482 = arith.constant 32 : index
        %get3A_483 = tpu.vector_load %arg7[%get3A_480, %get3A_481, %get3A_482] {strides = array<i32>} : memref<2x128x128xf32, #tpu.memory_space<vmem>>, vector<1x1x16xf32>,
        %get3A_484 = vector.shape_cast %get3A_483 : vector<1x1x16xf32> to vector<16xf32>
        %add3A_485 = arith.addf %get3A_484, %get3A_211 : vector<16xf32>
        %swap3A_486 = arith.constant 0 : i32
        %swap3A_487 = arith.index_cast %swap3A_486 : i32 to index
        %swap3A_488 = arith.index_cast %add3A_478 : i32 to index
        %swap3A_489 = arith.constant 32 : index
        %swap3A_490 = tpu.vector_load %arg7[%swap3A_487, %swap3A_488, %swap3A_489] {strides = array<i32>} : memref<2x128x128xf32, #tpu.memory_space<vmem>>, vector<1x1x16xf32>,
        %swap3A_491 = vector.shape_cast %swap3A_490 : vector<1x1x16xf32> to vector<16xf32>
        %swap3A_492 = vector.shape_cast %add3A_485 : vector<16xf32> to vector<1x1x16xf32>
        tpu.vector_store %arg7[%swap3A_487, %swap3A_488, %swap3A_489], %swap3A_492 {strides = array<i32>} : memref<2x128x128xf32, #tpu.memory_space<vmem>>, vector<1x1x16xf32>,
        %mul3A_493 = arith.constant 2 : i32
        %mul3A_494 = arith.muli %mul3A_493, %scan3A_439 : i32
        %add3A_495 = arith.constant 0 : i32
        %add3A_496 = arith.addi %mul3A_494, %add3A_495 : i32
        %get3A_497 = arith.constant 0 : i32
        %get3A_498 = arith.index_cast %get3A_497 : i32 to index
        %get3A_499 = arith.index_cast %add3A_496 : i32 to index
        %get3A_500 = arith.constant 48 : index
        %get3A_501 = tpu.vector_load %arg7[%get3A_498, %get3A_499, %get3A_500] {strides = array<i32>} : memref<2x128x128xf32, #tpu.memory_space<vmem>>, vector<1x1x16xf32>,
        %get3A_502 = vector.shape_cast %get3A_501 : vector<1x1x16xf32> to vector<16xf32>
        %add3A_503 = arith.addf %get3A_502, %get3A_215 : vector<16xf32>
        %swap3A_504 = arith.constant 0 : i32
        %swap3A_505 = arith.index_cast %swap3A_504 : i32 to index
        %swap3A_506 = arith.index_cast %add3A_496 : i32 to index
        %swap3A_507 = arith.constant 48 : index
        %swap3A_508 = tpu.vector_load %arg7[%swap3A_505, %swap3A_506, %swap3A_507] {strides = array<i32>} : memref<2x128x128xf32, #tpu.memory_space<vmem>>, vector<1x1x16xf32>,
        %swap3A_509 = vector.shape_cast %swap3A_508 : vector<1x1x16xf32> to vector<16xf32>
        %swap3A_510 = vector.shape_cast %add3A_503 : vector<16xf32> to vector<1x1x16xf32>
        tpu.vector_store %arg7[%swap3A_505, %swap3A_506, %swap3A_507], %swap3A_510 {strides = array<i32>} : memref<2x128x128xf32, #tpu.memory_space<vmem>>, vector<1x1x16xf32>,
        %mul3A_511 = arith.constant 2 : i32
        %mul3A_512 = arith.muli %mul3A_511, %scan3A_439 : i32
        %add3A_513 = arith.constant 1 : i32
        %add3A_514 = arith.addi %mul3A_512, %add3A_513 : i32
        %get3A_515 = arith.constant 0 : i32
        %get3A_516 = arith.index_cast %get3A_515 : i32 to index
        %get3A_517 = arith.index_cast %add3A_514 : i32 to index
        %get3A_518 = arith.constant 0 : index
        %get3A_519 = tpu.vector_load %arg7[%get3A_516, %get3A_517, %get3A_518] {strides = array<i32>} : memref<2x128x128xf32, #tpu.memory_space<vmem>>, vector<1x1x16xf32>,
        %get3A_520 = vector.shape_cast %get3A_519 : vector<1x1x16xf32> to vector<16xf32>
        %add3A_521 = arith.addf %get3A_520, %get3A_203 : vector<16xf32>
        %swap3A_522 = arith.constant 0 : i32
        %swap3A_523 = arith.index_cast %swap3A_522 : i32 to index
        %swap3A_524 = arith.index_cast %add3A_514 : i32 to index
        %swap3A_525 = arith.constant 0 : index
        %swap3A_526 = tpu.vector_load %arg7[%swap3A_523, %swap3A_524, %swap3A_525] {strides = array<i32>} : memref<2x128x128xf32, #tpu.memory_space<vmem>>, vector<1x1x16xf32>,
        %swap3A_527 = vector.shape_cast %swap3A_526 : vector<1x1x16xf32> to vector<16xf32>
        %swap3A_528 = vector.shape_cast %add3A_521 : vector<16xf32> to vector<1x1x16xf32>
        tpu.vector_store %arg7[%swap3A_523, %swap3A_524, %swap3A_525], %swap3A_528 {strides = array<i32>} : memref<2x128x128xf32, #tpu.memory_space<vmem>>, vector<1x1x16xf32>,
        %mul3A_529 = arith.constant 2 : i32
        %mul3A_530 = arith.muli %mul3A_529, %scan3A_439 : i32
        %add3A_531 = arith.constant 1 : i32
        %add3A_532 = arith.addi %mul3A_530, %add3A_531 : i32
        %get3A_533 = arith.constant 0 : i32
        %get3A_534 = arith.index_cast %get3A_533 : i32 to index
        %get3A_535 = arith.index_cast %add3A_532 : i32 to index
        %get3A_536 = arith.constant 16 : index
        %get3A_537 = tpu.vector_load %arg7[%get3A_534, %get3A_535, %get3A_536] {strides = array<i32>} : memref<2x128x128xf32, #tpu.memory_space<vmem>>, vector<1x1x16xf32>,
        %get3A_538 = vector.shape_cast %get3A_537 : vector<1x1x16xf32> to vector<16xf32>
        %add3A_539 = arith.addf %get3A_538, %get3A_207 : vector<16xf32>
        %swap3A_540 = arith.constant 0 : i32
        %swap3A_541 = arith.index_cast %swap3A_540 : i32 to index
        %swap3A_542 = arith.index_cast %add3A_532 : i32 to index
        %swap3A_543 = arith.constant 16 : index
        %swap3A_544 = tpu.vector_load %arg7[%swap3A_541, %swap3A_542, %swap3A_543] {strides = array<i32>} : memref<2x128x128xf32, #tpu.memory_space<vmem>>, vector<1x1x16xf32>,
        %swap3A_545 = vector.shape_cast %swap3A_544 : vector<1x1x16xf32> to vector<16xf32>
        %swap3A_546 = vector.shape_cast %add3A_539 : vector<16xf32> to vector<1x1x16xf32>
        tpu.vector_store %arg7[%swap3A_541, %swap3A_542, %swap3A_543], %swap3A_546 {strides = array<i32>} : memref<2x128x128xf32, #tpu.memory_space<vmem>>, vector<1x1x16xf32>,
        %mul3A_547 = arith.constant 2 : i32
        %mul3A_548 = arith.muli %mul3A_547, %scan3A_439 : i32
        %add3A_549 = arith.constant 1 : i32
        %add3A_550 = arith.addi %mul3A_548, %add3A_549 : i32
        %get3A_551 = arith.constant 0 : i32
        %get3A_552 = arith.index_cast %get3A_551 : i32 to index
        %get3A_553 = arith.index_cast %add3A_550 : i32 to index
        %get3A_554 = arith.constant 32 : index
        %get3A_555 = tpu.vector_load %arg7[%get3A_552, %get3A_553, %get3A_554] {strides = array<i32>} : memref<2x128x128xf32, #tpu.memory_space<vmem>>, vector<1x1x16xf32>,
        %get3A_556 = vector.shape_cast %get3A_555 : vector<1x1x16xf32> to vector<16xf32>
        %add3A_557 = arith.addf %get3A_556, %get3A_211 : vector<16xf32>
        %swap3A_558 = arith.constant 0 : i32
        %swap3A_559 = arith.index_cast %swap3A_558 : i32 to index
        %swap3A_560 = arith.index_cast %add3A_550 : i32 to index
        %swap3A_561 = arith.constant 32 : index
        %swap3A_562 = tpu.vector_load %arg7[%swap3A_559, %swap3A_560, %swap3A_561] {strides = array<i32>} : memref<2x128x128xf32, #tpu.memory_space<vmem>>, vector<1x1x16xf32>,
        %swap3A_563 = vector.shape_cast %swap3A_562 : vector<1x1x16xf32> to vector<16xf32>
        %swap3A_564 = vector.shape_cast %add3A_557 : vector<16xf32> to vector<1x1x16xf32>
        tpu.vector_store %arg7[%swap3A_559, %swap3A_560, %swap3A_561], %swap3A_564 {strides = array<i32>} : memref<2x128x128xf32, #tpu.memory_space<vmem>>, vector<1x1x16xf32>,
        %mul3A_565 = arith.constant 2 : i32
        %mul3A_566 = arith.muli %mul3A_565, %scan3A_439 : i32
        %add3A_567 = arith.constant 1 : i32
        %add3A_568 = arith.addi %mul3A_566, %add3A_567 : i32
        %get3A_569 = arith.constant 0 : i32
        %get3A_570 = arith.index_cast %get3A_569 : i32 to index
        %get3A_571 = arith.index_cast %add3A_568 : i32 to index
        %get3A_572 = arith.constant 48 : index
        %get3A_573 = tpu.vector_load %arg7[%get3A_570, %get3A_571, %get3A_572] {strides = array<i32>} : memref<2x128x128xf32, #tpu.memory_space<vmem>>, vector<1x1x16xf32>,
        %get3A_574 = vector.shape_cast %get3A_573 : vector<1x1x16xf32> to vector<16xf32>
        %add3A_575 = arith.addf %get3A_574, %get3A_215 : vector<16xf32>
        %swap3A_576 = arith.constant 0 : i32
        %swap3A_577 = arith.index_cast %swap3A_576 : i32 to index
        %swap3A_578 = arith.index_cast %add3A_568 : i32 to index
        %swap3A_579 = arith.constant 48 : index
        %swap3A_580 = tpu.vector_load %arg7[%swap3A_577, %swap3A_578, %swap3A_579] {strides = array<i32>} : memref<2x128x128xf32, #tpu.memory_space<vmem>>, vector<1x1x16xf32>,
        %swap3A_581 = vector.shape_cast %swap3A_580 : vector<1x1x16xf32> to vector<16xf32>
        %swap3A_582 = vector.shape_cast %add3A_575 : vector<16xf32> to vector<1x1x16xf32>
        tpu.vector_store %arg7[%swap3A_577, %swap3A_578, %swap3A_579], %swap3A_582 {strides = array<i32>} : memref<2x128x128xf32, #tpu.memory_space<vmem>>, vector<1x1x16xf32>,
      }
      %scan3A_221 = arith.constant 64 : i32
      %dma_start3A_222 = arith.constant 0 : i32
      %dma_start3A_223 = arith.constant 0 : i32
      %dma_start3A_224 = arith.constant 0 : i32
      %dma_start3A_225 = tpu.memref_slice %arg7[%dma_start3A_222, %dma_start3A_223, %dma_start3A_224] : memref<2x128x128xf32, #tpu.memory_space<vmem>> -> memref<1x128x128xf32, #tpu.memory_space<vmem>>
      %dma_start3A_226 = tpu.memref_squeeze %dma_start3A_225 : memref<1x128x128xf32, #tpu.memory_space<vmem>> -> memref<128x128xf32, #tpu.memory_space<vmem>>
      %dma_start3A_227 = arith.constant 0 : i32
      %dma_start3A_228 = tpu.memref_slice %arg5[%mul3A_2, %add3A_52, %dma_start3A_227] : memref<4096x200x128xf32, #tpu.memory_space<hbm>> -> memref<128x1x128xf32, #tpu.memory_space<hbm>>
      %dma_start3A_229 = tpu.memref_squeeze %dma_start3A_228 : memref<128x1x128xf32, #tpu.memory_space<hbm>> -> memref<128x128xf32, #tpu.memory_space<hbm>>
      %dma_start3A_230 = arith.constant 0 : i32
      %dma_start3A_231 = tpu.memref_slice %arg5[%mul3A_2, %add3A_52, %dma_start3A_230] : memref<4096x200x128xf32, #tpu.memory_space<hbm>> -> memref<128x1x128xf32, #tpu.memory_space<hbm>>
      %dma_start3A_232 = tpu.memref_squeeze %dma_start3A_231 : memref<128x1x128xf32, #tpu.memory_space<hbm>> -> memref<128x128xf32, #tpu.memory_space<hbm>>
      %dma_start3A_233 = arith.constant 0 : i32
      %dma_start3A_234 = arith.constant 0 : i32
      %dma_start3A_235 = tpu.memref_slice %arg7[%dma_start3A_222, %dma_start3A_233, %dma_start3A_234] : memref<2x128x128xf32, #tpu.memory_space<vmem>> -> memref<1x128x128xf32, #tpu.memory_space<vmem>>
      %dma_start3A_236 = tpu.memref_squeeze %dma_start3A_235 : memref<1x128x128xf32, #tpu.memory_space<vmem>> -> memref<128x128xf32, #tpu.memory_space<vmem>>
      tpu.enqueue_dma source(%dma_start3A_236 : memref<128x128xf32, #tpu.memory_space<vmem>>) target(%dma_start3A_232 : memref<128x128xf32, #tpu.memory_space<hbm>>) target_semaphore(%arg11 : memref<!tpu.dma_semaphore, #tpu.memory_space<semaphore_mem>>)
      %mul3A_237 = arith.constant 2 : i32
      %mul3A_238 = arith.muli %mul3A_237, %scan3A_48 : i32
      %add3A_239 = arith.constant 1 : i32
      %add3A_240 = arith.addi %mul3A_238, %add3A_239 : i32
      %ge3A_241 = arith.constant 1 : i32
      %ge3A_242 = arith.cmpi sge, %add3A_240, %ge3A_241 : i32
      %convert_element_type3A_243 = arith.extui %ge3A_242 : i1 to i32
      %cond3A_244 = arith.constant 0 : i32
      %cond3A_245 = arith.cmpi ne, %convert_element_type3A_243, %cond3A_244 : i32
      scf.if %cond3A_245 {
        %sub3A_439 = arith.constant 1 : i32
        %sub3A_440 = arith.subi %add3A_240, %sub3A_439 : i32
        %dma_wait3A_441 = arith.constant 0 : i32
        %dma_wait3A_442 = arith.constant 0 : i32
        %dma_wait3A_443 = arith.constant 0 : i32
        %dma_wait3A_444 = tpu.memref_slice %arg7[%dma_wait3A_441, %dma_wait3A_442, %dma_wait3A_443] : memref<2x128x128xf32, #tpu.memory_space<vmem>> -> memref<1x128x128xf32, #tpu.memory_space<vmem>>
        %dma_wait3A_445 = tpu.memref_squeeze %dma_wait3A_444 : memref<1x128x128xf32, #tpu.memory_space<vmem>> -> memref<128x128xf32, #tpu.memory_space<vmem>>
        %dma_wait3A_446 = arith.constant 0 : i32
        %dma_wait3A_447 = tpu.memref_slice %arg5[%mul3A_2, %sub3A_440, %dma_wait3A_446] : memref<4096x200x128xf32, #tpu.memory_space<hbm>> -> memref<128x1x128xf32, #tpu.memory_space<hbm>>
        %dma_wait3A_448 = tpu.memref_squeeze %dma_wait3A_447 : memref<128x1x128xf32, #tpu.memory_space<hbm>> -> memref<128x128xf32, #tpu.memory_space<hbm>>
        %dma_wait3A_449 = arith.constant 0 : i32
        %dma_wait3A_450 = tpu.memref_slice %arg5[%mul3A_2, %sub3A_440, %dma_wait3A_449] : memref<4096x200x128xf32, #tpu.memory_space<hbm>> -> memref<128x1x128xf32, #tpu.memory_space<hbm>>
        %dma_wait3A_451 = tpu.memref_squeeze %dma_wait3A_450 : memref<128x1x128xf32, #tpu.memory_space<hbm>> -> memref<128x128xf32, #tpu.memory_space<hbm>>
        %dma_wait3A_452 = arith.constant 0 : i32
        %dma_wait3A_453 = arith.constant 0 : i32
        %dma_wait3A_454 = tpu.memref_slice %arg7[%dma_wait3A_441, %dma_wait3A_452, %dma_wait3A_453] : memref<2x128x128xf32, #tpu.memory_space<vmem>> -> memref<1x128x128xf32, #tpu.memory_space<vmem>>
        %dma_wait3A_455 = tpu.memref_squeeze %dma_wait3A_454 : memref<1x128x128xf32, #tpu.memory_space<vmem>> -> memref<128x128xf32, #tpu.memory_space<vmem>>
        tpu.wait_dma2 semaphore(%arg11 : memref<!tpu.dma_semaphore, #tpu.memory_space<semaphore_mem>>) src(%dma_wait3A_455 : memref<128x128xf32, #tpu.memory_space<vmem>>) dst(%dma_wait3A_451 : memref<128x128xf32, #tpu.memory_space<hbm>>)
      } else {
      }
      %add3A_246 = arith.constant 1 : i32
      %add3A_247 = arith.addi %add3A_240, %add3A_246 : i32
      %lt3A_248 = arith.constant 200 : i32
      %lt3A_249 = arith.cmpi slt, %add3A_247, %lt3A_248 : i32
      %add3A_250 = arith.constant 1 : i32
      %add3A_251 = arith.addi %add3A_240, %add3A_250 : i32
      %jit3A_252 = arith.constant 8 : i32
      %eq3A_253 = arith.constant 0 : i32
      %eq3A_254 = arith.cmpi eq, %jit3A_252, %eq3A_253 : i32
      %jit3A_255 = arith.constant 1 : i32
      %select_n3A_256 = arith.select %eq3A_254, %jit3A_255, %jit3A_252 : i32
      %rem3A_257 = arith.remsi %add3A_251, %select_n3A_256 : i32
      %ne3A_258 = arith.constant 0 : i32
      %ne3A_259 = arith.cmpi ne, %rem3A_257, %ne3A_258 : i32
      %lt3A_260 = arith.constant 0 : i32
      %lt3A_261 = arith.cmpi slt, %rem3A_257, %lt3A_260 : i32
      %lt3A_262 = arith.constant 0 : i32
      %lt3A_263 = arith.cmpi slt, %select_n3A_256, %lt3A_262 : i32
      %ne3A_264 = arith.xori %lt3A_261, %lt3A_263 : i1
      %and3A_265 = arith.andi %ne3A_264, %ne3A_259 : i1
      %add3A_266 = arith.addi %rem3A_257, %select_n3A_256 : i32
      %select_n3A_267 = arith.select %and3A_265, %add3A_266, %rem3A_257 : i32
      %eq3A_268 = arith.constant 0 : i32
      %eq3A_269 = arith.cmpi eq, %select_n3A_267, %eq3A_268 : i32
      %and3A_270 = arith.andi %lt3A_249, %eq3A_269 : i1
      %convert_element_type3A_271 = arith.extui %and3A_270 : i1 to i32
      %cond3A_272 = arith.constant 0 : i32
      %cond3A_273 = arith.cmpi ne, %convert_element_type3A_271, %cond3A_272 : i32
      scf.if %cond3A_273 {
        %add3A_439 = arith.constant 1 : i32
        %add3A_440 = arith.addi %add3A_240, %add3A_439 : i32
        %jit3A_441 = arith.constant 8 : i32
        %div3A_442 = arith.divsi %add3A_440, %jit3A_441 : i32
        %sign3A_443 = arith.constant 0 : i32
        %sign3A_444 = arith.cmpi sgt, %add3A_440, %sign3A_443 : i32
        %sign3A_445 = arith.extui %sign3A_444 : i1 to i32
        %sign3A_446 = arith.constant 0 : i32
        %sign3A_447 = arith.cmpi slt, %add3A_440, %sign3A_446 : i32
        %sign3A_448 = arith.extui %sign3A_447 : i1 to i32
        %sign3A_449 = arith.subi %sign3A_445, %sign3A_448 : i32
        %sign3A_450 = arith.constant 0 : i32
        %sign3A_451 = arith.cmpi sgt, %jit3A_441, %sign3A_450 : i32
        %sign3A_452 = arith.extui %sign3A_451 : i1 to i32
        %sign3A_453 = arith.constant 0 : i32
        %sign3A_454 = arith.cmpi slt, %jit3A_441, %sign3A_453 : i32
        %sign3A_455 = arith.extui %sign3A_454 : i1 to i32
        %sign3A_456 = arith.subi %sign3A_452, %sign3A_455 : i32
        %ne3A_457 = arith.cmpi ne, %sign3A_449, %sign3A_456 : i32
        %rem3A_458 = arith.remsi %add3A_440, %jit3A_441 : i32
        %ne3A_459 = arith.constant 0 : i32
        %ne3A_460 = arith.cmpi ne, %rem3A_458, %ne3A_459 : i32
        %and3A_461 = arith.andi %ne3A_457, %ne3A_460 : i1
        %sub3A_462 = arith.constant 1 : i32
        %sub3A_463 = arith.subi %div3A_442, %sub3A_462 : i32
        %select_n3A_464 = arith.select %and3A_461, %sub3A_463, %div3A_442 : i32
        %mul3A_465 = arith.constant 8 : i32
        %mul3A_466 = arith.muli %select_n3A_464, %mul3A_465 : i32
        %add3A_467 = arith.constant 1 : i32
        %add3A_468 = arith.addi %add3A_240, %add3A_467 : i32
        %jit3A_469 = arith.constant 8 : i32
        %div3A_470 = arith.divsi %add3A_468, %jit3A_469 : i32
        %sign3A_471 = arith.constant 0 : i32
        %sign3A_472 = arith.cmpi sgt, %add3A_468, %sign3A_471 : i32
        %sign3A_473 = arith.extui %sign3A_472 : i1 to i32
        %sign3A_474 = arith.constant 0 : i32
        %sign3A_475 = arith.cmpi slt, %add3A_468, %sign3A_474 : i32
        %sign3A_476 = arith.extui %sign3A_475 : i1 to i32
        %sign3A_477 = arith.subi %sign3A_473, %sign3A_476 : i32
        %sign3A_478 = arith.constant 0 : i32
        %sign3A_479 = arith.cmpi sgt, %jit3A_469, %sign3A_478 : i32
        %sign3A_480 = arith.extui %sign3A_479 : i1 to i32
        %sign3A_481 = arith.constant 0 : i32
        %sign3A_482 = arith.cmpi slt, %jit3A_469, %sign3A_481 : i32
        %sign3A_483 = arith.extui %sign3A_482 : i1 to i32
        %sign3A_484 = arith.subi %sign3A_480, %sign3A_483 : i32
        %ne3A_485 = arith.cmpi ne, %sign3A_477, %sign3A_484 : i32
        %rem3A_486 = arith.remsi %add3A_468, %jit3A_469 : i32
        %ne3A_487 = arith.constant 0 : i32
        %ne3A_488 = arith.cmpi ne, %rem3A_486, %ne3A_487 : i32
        %and3A_489 = arith.andi %ne3A_485, %ne3A_488 : i1
        %sub3A_490 = arith.constant 1 : i32
        %sub3A_491 = arith.subi %div3A_470, %sub3A_490 : i32
        %select_n3A_492 = arith.select %and3A_489, %sub3A_491, %div3A_470 : i32
        %jit3A_493 = arith.constant 2 : i32
        %eq3A_494 = arith.constant 0 : i32
        %eq3A_495 = arith.cmpi eq, %jit3A_493, %eq3A_494 : i32
        %jit3A_496 = arith.constant 1 : i32
        %select_n3A_497 = arith.select %eq3A_495, %jit3A_496, %jit3A_493 : i32
        %rem3A_498 = arith.remsi %select_n3A_492, %select_n3A_497 : i32
        %ne3A_499 = arith.constant 0 : i32
        %ne3A_500 = arith.cmpi ne, %rem3A_498, %ne3A_499 : i32
        %lt3A_501 = arith.constant 0 : i32
        %lt3A_502 = arith.cmpi slt, %rem3A_498, %lt3A_501 : i32
        %lt3A_503 = arith.constant 0 : i32
        %lt3A_504 = arith.cmpi slt, %select_n3A_497, %lt3A_503 : i32
        %ne3A_505 = arith.xori %lt3A_502, %lt3A_504 : i1
        %and3A_506 = arith.andi %ne3A_505, %ne3A_500 : i1
        %add3A_507 = arith.addi %rem3A_498, %select_n3A_497 : i32
        %select_n3A_508 = arith.select %and3A_506, %add3A_507, %rem3A_498 : i32
        %dma_wait3A_509 = arith.constant 0 : i32
        %dma_wait3A_510 = arith.constant 0 : i32
        %dma_wait3A_511 = tpu.memref_slice %arg6[%select_n3A_508, %dma_wait3A_509, %dma_wait3A_510] : memref<2x8x128xi32, #tpu.memory_space<vmem>> -> memref<1x8x128xi32, #tpu.memory_space<vmem>>
        %dma_wait3A_512 = tpu.memref_squeeze %dma_wait3A_511 : memref<1x8x128xi32, #tpu.memory_space<vmem>> -> memref<8x128xi32, #tpu.memory_space<vmem>>
        %dma_wait3A_513 = tpu.memref_slice %arg2[%mul3A_466, %mul3A_2] : memref<200x4096xi32, #tpu.memory_space<hbm>> -> memref<8x128xi32, #tpu.memory_space<hbm>>
        %dma_wait3A_514 = arith.constant 0 : i32
        %dma_wait3A_515 = arith.constant 0 : i32
        %dma_wait3A_516 = tpu.memref_slice %arg6[%select_n3A_508, %dma_wait3A_514, %dma_wait3A_515] : memref<2x8x128xi32, #tpu.memory_space<vmem>> -> memref<1x8x128xi32, #tpu.memory_space<vmem>>
        %dma_wait3A_517 = tpu.memref_squeeze %dma_wait3A_516 : memref<1x8x128xi32, #tpu.memory_space<vmem>> -> memref<8x128xi32, #tpu.memory_space<vmem>>
        %dma_wait3A_518 = tpu.memref_slice %arg2[%mul3A_466, %mul3A_2] : memref<200x4096xi32, #tpu.memory_space<hbm>> -> memref<8x128xi32, #tpu.memory_space<hbm>>
        tpu.wait_dma2 semaphore(%arg9 : memref<!tpu.dma_semaphore, #tpu.memory_space<semaphore_mem>>) src(%dma_wait3A_518 : memref<8x128xi32, #tpu.memory_space<hbm>>) dst(%dma_wait3A_517 : memref<8x128xi32, #tpu.memory_space<vmem>>)
      } else {
      }
      %jit3A_274 = arith.constant 8 : i32
      %div3A_275 = arith.divsi %add3A_240, %jit3A_274 : i32
      %sign3A_276 = arith.constant 0 : i32
      %sign3A_277 = arith.cmpi sgt, %add3A_240, %sign3A_276 : i32
      %sign3A_278 = arith.extui %sign3A_277 : i1 to i32
      %sign3A_279 = arith.constant 0 : i32
      %sign3A_280 = arith.cmpi slt, %add3A_240, %sign3A_279 : i32
      %sign3A_281 = arith.extui %sign3A_280 : i1 to i32
      %sign3A_282 = arith.subi %sign3A_278, %sign3A_281 : i32
      %sign3A_283 = arith.constant 0 : i32
      %sign3A_284 = arith.cmpi sgt, %jit3A_274, %sign3A_283 : i32
      %sign3A_285 = arith.extui %sign3A_284 : i1 to i32
      %sign3A_286 = arith.constant 0 : i32
      %sign3A_287 = arith.cmpi slt, %jit3A_274, %sign3A_286 : i32
      %sign3A_288 = arith.extui %sign3A_287 : i1 to i32
      %sign3A_289 = arith.subi %sign3A_285, %sign3A_288 : i32
      %ne3A_290 = arith.cmpi ne, %sign3A_282, %sign3A_289 : i32
      %rem3A_291 = arith.remsi %add3A_240, %jit3A_274 : i32
      %ne3A_292 = arith.constant 0 : i32
      %ne3A_293 = arith.cmpi ne, %rem3A_291, %ne3A_292 : i32
      %and3A_294 = arith.andi %ne3A_290, %ne3A_293 : i1
      %sub3A_295 = arith.constant 1 : i32
      %sub3A_296 = arith.subi %div3A_275, %sub3A_295 : i32
      %select_n3A_297 = arith.select %and3A_294, %sub3A_296, %div3A_275 : i32
      %jit3A_298 = arith.constant 2 : i32
      %eq3A_299 = arith.constant 0 : i32
      %eq3A_300 = arith.cmpi eq, %jit3A_298, %eq3A_299 : i32
      %jit3A_301 = arith.constant 1 : i32
      %select_n3A_302 = arith.select %eq3A_300, %jit3A_301, %jit3A_298 : i32
      %rem3A_303 = arith.remsi %select_n3A_297, %select_n3A_302 : i32
      %ne3A_304 = arith.constant 0 : i32
      %ne3A_305 = arith.cmpi ne, %rem3A_303, %ne3A_304 : i32
      %lt3A_306 = arith.constant 0 : i32
      %lt3A_307 = arith.cmpi slt, %rem3A_303, %lt3A_306 : i32
      %lt3A_308 = arith.constant 0 : i32
      %lt3A_309 = arith.cmpi slt, %select_n3A_302, %lt3A_308 : i32
      %ne3A_310 = arith.xori %lt3A_307, %lt3A_309 : i1
      %and3A_311 = arith.andi %ne3A_310, %ne3A_305 : i1
      %add3A_312 = arith.addi %rem3A_303, %select_n3A_302 : i32
      %select_n3A_313 = arith.select %and3A_311, %add3A_312, %rem3A_303 : i32
      %jit3A_314 = arith.constant 8 : i32
      %eq3A_315 = arith.constant 0 : i32
      %eq3A_316 = arith.cmpi eq, %jit3A_314, %eq3A_315 : i32
      %jit3A_317 = arith.constant 1 : i32
      %select_n3A_318 = arith.select %eq3A_316, %jit3A_317, %jit3A_314 : i32
      %rem3A_319 = arith.remsi %add3A_240, %select_n3A_318 : i32
      %ne3A_320 = arith.constant 0 : i32
      %ne3A_321 = arith.cmpi ne, %rem3A_319, %ne3A_320 : i32
      %lt3A_322 = arith.constant 0 : i32
      %lt3A_323 = arith.cmpi slt, %rem3A_319, %lt3A_322 : i32
      %lt3A_324 = arith.constant 0 : i32
      %lt3A_325 = arith.cmpi slt, %select_n3A_318, %lt3A_324 : i32
      %ne3A_326 = arith.xori %lt3A_323, %lt3A_325 : i1
      %and3A_327 = arith.andi %ne3A_326, %ne3A_321 : i1
      %add3A_328 = arith.addi %rem3A_319, %select_n3A_318 : i32
      %select_n3A_329 = arith.select %and3A_327, %add3A_328, %rem3A_319 : i32
      %dma_wait3A_330 = arith.constant 1 : i32
      %dma_wait3A_331 = arith.constant 0 : i32
      %dma_wait3A_332 = arith.constant 0 : i32
      %dma_wait3A_333 = tpu.memref_slice %arg7[%dma_wait3A_330, %dma_wait3A_331, %dma_wait3A_332] : memref<2x128x128xf32, #tpu.memory_space<vmem>> -> memref<1x128x128xf32, #tpu.memory_space<vmem>>
      %dma_wait3A_334 = tpu.memref_squeeze %dma_wait3A_333 : memref<1x128x128xf32, #tpu.memory_space<vmem>> -> memref<128x128xf32, #tpu.memory_space<vmem>>
      %dma_wait3A_335 = arith.constant 0 : i32
      %dma_wait3A_336 = tpu.memref_slice %arg6[%select_n3A_313, %select_n3A_329, %dma_wait3A_335] : memref<2x8x128xi32, #tpu.memory_space<vmem>> -> memref<1x1x128xi32, #tpu.memory_space<vmem>>
      %dma_wait3A_337 = tpu.memref_squeeze %dma_wait3A_336 : memref<1x1x128xi32, #tpu.memory_space<vmem>> -> memref<128xi32, #tpu.memory_space<vmem>>
      %dma_wait3A_338 = arith.constant 0 : i32
      %dma_wait3A_339 = arith.constant 0 : i32
      %dma_wait3A_340 = tpu.memref_slice %arg4[%dma_wait3A_338, %dma_wait3A_339] : memref<1000000x128xf32, #tpu.memory_space<hbm>> -> memref<1000000x128xf32, #tpu.memory_space<hbm>>
      tpu.wait_indirect_dma semaphore(%arg10 : memref<!tpu.dma_semaphore, #tpu.memory_space<semaphore_mem>>) src(%dma_wait3A_340 : memref<1000000x128xf32, #tpu.memory_space<hbm>>) dst(%dma_wait3A_334 : memref<128x128xf32, #tpu.memory_space<vmem>>)
      %add3A_341 = arith.constant 1 : i32
      %add3A_342 = arith.addi %add3A_240, %add3A_341 : i32
      %lt3A_343 = arith.constant 200 : i32
      %lt3A_344 = arith.cmpi slt, %add3A_342, %lt3A_343 : i32
      %convert_element_type3A_345 = arith.extui %lt3A_344 : i1 to i32
      %cond3A_346 = arith.constant 0 : i32
      %cond3A_347 = arith.cmpi ne, %convert_element_type3A_345, %cond3A_346 : i32
      scf.if %cond3A_347 {
        %add3A_439 = arith.constant 1 : i32
        %add3A_440 = arith.addi %add3A_240, %add3A_439 : i32
        %jit3A_441 = arith.constant 8 : i32
        %div3A_442 = arith.divsi %add3A_440, %jit3A_441 : i32
        %sign3A_443 = arith.constant 0 : i32
        %sign3A_444 = arith.cmpi sgt, %add3A_440, %sign3A_443 : i32
        %sign3A_445 = arith.extui %sign3A_444 : i1 to i32
        %sign3A_446 = arith.constant 0 : i32
        %sign3A_447 = arith.cmpi slt, %add3A_440, %sign3A_446 : i32
        %sign3A_448 = arith.extui %sign3A_447 : i1 to i32
        %sign3A_449 = arith.subi %sign3A_445, %sign3A_448 : i32
        %sign3A_450 = arith.constant 0 : i32
        %sign3A_451 = arith.cmpi sgt, %jit3A_441, %sign3A_450 : i32
        %sign3A_452 = arith.extui %sign3A_451 : i1 to i32
        %sign3A_453 = arith.constant 0 : i32
        %sign3A_454 = arith.cmpi slt, %jit3A_441, %sign3A_453 : i32
        %sign3A_455 = arith.extui %sign3A_454 : i1 to i32
        %sign3A_456 = arith.subi %sign3A_452, %sign3A_455 : i32
        %ne3A_457 = arith.cmpi ne, %sign3A_449, %sign3A_456 : i32
        %rem3A_458 = arith.remsi %add3A_440, %jit3A_441 : i32
        %ne3A_459 = arith.constant 0 : i32
        %ne3A_460 = arith.cmpi ne, %rem3A_458, %ne3A_459 : i32
        %and3A_461 = arith.andi %ne3A_457, %ne3A_460 : i1
        %sub3A_462 = arith.constant 1 : i32
        %sub3A_463 = arith.subi %div3A_442, %sub3A_462 : i32
        %select_n3A_464 = arith.select %and3A_461, %sub3A_463, %div3A_442 : i32
        %jit3A_465 = arith.constant 2 : i32
        %eq3A_466 = arith.constant 0 : i32
        %eq3A_467 = arith.cmpi eq, %jit3A_465, %eq3A_466 : i32
        %jit3A_468 = arith.constant 1 : i32
        %select_n3A_469 = arith.select %eq3A_467, %jit3A_468, %jit3A_465 : i32
        %rem3A_470 = arith.remsi %select_n3A_464, %select_n3A_469 : i32
        %ne3A_471 = arith.constant 0 : i32
        %ne3A_472 = arith.cmpi ne, %rem3A_470, %ne3A_471 : i32
        %lt3A_473 = arith.constant 0 : i32
        %lt3A_474 = arith.cmpi slt, %rem3A_470, %lt3A_473 : i32
        %lt3A_475 = arith.constant 0 : i32
        %lt3A_476 = arith.cmpi slt, %select_n3A_469, %lt3A_475 : i32
        %ne3A_477 = arith.xori %lt3A_474, %lt3A_476 : i1
        %and3A_478 = arith.andi %ne3A_477, %ne3A_472 : i1
        %add3A_479 = arith.addi %rem3A_470, %select_n3A_469 : i32
        %select_n3A_480 = arith.select %and3A_478, %add3A_479, %rem3A_470 : i32
        %jit3A_481 = arith.constant 8 : i32
        %eq3A_482 = arith.constant 0 : i32
        %eq3A_483 = arith.cmpi eq, %jit3A_481, %eq3A_482 : i32
        %jit3A_484 = arith.constant 1 : i32
        %select_n3A_485 = arith.select %eq3A_483, %jit3A_484, %jit3A_481 : i32
        %rem3A_486 = arith.remsi %add3A_440, %select_n3A_485 : i32
        %ne3A_487 = arith.constant 0 : i32
        %ne3A_488 = arith.cmpi ne, %rem3A_486, %ne3A_487 : i32
        %lt3A_489 = arith.constant 0 : i32
        %lt3A_490 = arith.cmpi slt, %rem3A_486, %lt3A_489 : i32
        %lt3A_491 = arith.constant 0 : i32
        %lt3A_492 = arith.cmpi slt, %select_n3A_485, %lt3A_491 : i32
        %ne3A_493 = arith.xori %lt3A_490, %lt3A_492 : i1
        %and3A_494 = arith.andi %ne3A_493, %ne3A_488 : i1
        %add3A_495 = arith.addi %rem3A_486, %select_n3A_485 : i32
        %select_n3A_496 = arith.select %and3A_494, %add3A_495, %rem3A_486 : i32
        %dma_start3A_497 = arith.constant 0 : i32
        %dma_start3A_498 = arith.constant 0 : i32
        %dma_start3A_499 = arith.constant 0 : i32
        %dma_start3A_500 = tpu.memref_slice %arg7[%dma_start3A_497, %dma_start3A_498, %dma_start3A_499] : memref<2x128x128xf32, #tpu.memory_space<vmem>> -> memref<1x128x128xf32, #tpu.memory_space<vmem>>
        %dma_start3A_501 = tpu.memref_squeeze %dma_start3A_500 : memref<1x128x128xf32, #tpu.memory_space<vmem>> -> memref<128x128xf32, #tpu.memory_space<vmem>>
        %dma_start3A_502 = arith.constant 0 : i32
        %dma_start3A_503 = tpu.memref_slice %arg6[%select_n3A_480, %select_n3A_496, %dma_start3A_502] : memref<2x8x128xi32, #tpu.memory_space<vmem>> -> memref<1x1x128xi32, #tpu.memory_space<vmem>>
        %dma_start3A_504 = tpu.memref_squeeze %dma_start3A_503 : memref<1x1x128xi32, #tpu.memory_space<vmem>> -> memref<128xi32, #tpu.memory_space<vmem>>
        %dma_start3A_505 = arith.constant 0 : i32
        %dma_start3A_506 = arith.constant 0 : i32
        %dma_start3A_507 = tpu.memref_slice %arg4[%dma_start3A_505, %dma_start3A_506] : memref<1000000x128xf32, #tpu.memory_space<hbm>> -> memref<1000000x128xf32, #tpu.memory_space<hbm>>
        tpu.enqueue_indirect_dma source(%dma_start3A_507 : memref<1000000x128xf32, #tpu.memory_space<hbm>>) target(%dma_start3A_501 : memref<128x128xf32, #tpu.memory_space<vmem>>) offsets(%dma_start3A_504 : memref<128xi32, #tpu.memory_space<vmem>>) semaphore(%arg10 : memref<!tpu.dma_semaphore, #tpu.memory_space<semaphore_mem>>)
      } else {
      }
      %add3A_348 = arith.constant 1 : i32
      %add3A_349 = arith.addi %add3A_240, %add3A_348 : i32
      %jit3A_350 = arith.constant 8 : i32
      %eq3A_351 = arith.constant 0 : i32
      %eq3A_352 = arith.cmpi eq, %jit3A_350, %eq3A_351 : i32
      %jit3A_353 = arith.constant 1 : i32
      %select_n3A_354 = arith.select %eq3A_352, %jit3A_353, %jit3A_350 : i32
      %rem3A_355 = arith.remsi %add3A_349, %select_n3A_354 : i32
      %ne3A_356 = arith.constant 0 : i32
      %ne3A_357 = arith.cmpi ne, %rem3A_355, %ne3A_356 : i32
      %lt3A_358 = arith.constant 0 : i32
      %lt3A_359 = arith.cmpi slt, %rem3A_355, %lt3A_358 : i32
      %lt3A_360 = arith.constant 0 : i32
      %lt3A_361 = arith.cmpi slt, %select_n3A_354, %lt3A_360 : i32
      %ne3A_362 = arith.xori %lt3A_359, %lt3A_361 : i1
      %and3A_363 = arith.andi %ne3A_362, %ne3A_357 : i1
      %add3A_364 = arith.addi %rem3A_355, %select_n3A_354 : i32
      %select_n3A_365 = arith.select %and3A_363, %add3A_364, %rem3A_355 : i32
      %eq3A_366 = arith.constant 0 : i32
      %eq3A_367 = arith.cmpi eq, %select_n3A_365, %eq3A_366 : i32
      %add3A_368 = arith.constant 1 : i32
      %add3A_369 = arith.addi %add3A_240, %add3A_368 : i32
      %jit3A_370 = arith.constant 8 : i32
      %div3A_371 = arith.divsi %add3A_369, %jit3A_370 : i32
      %sign3A_372 = arith.constant 0 : i32
      %sign3A_373 = arith.cmpi sgt, %add3A_369, %sign3A_372 : i32
      %sign3A_374 = arith.extui %sign3A_373 : i1 to i32
      %sign3A_375 = arith.constant 0 : i32
      %sign3A_376 = arith.cmpi slt, %add3A_369, %sign3A_375 : i32
      %sign3A_377 = arith.extui %sign3A_376 : i1 to i32
      %sign3A_378 = arith.subi %sign3A_374, %sign3A_377 : i32
      %sign3A_379 = arith.constant 0 : i32
      %sign3A_380 = arith.cmpi sgt, %jit3A_370, %sign3A_379 : i32
      %sign3A_381 = arith.extui %sign3A_380 : i1 to i32
      %sign3A_382 = arith.constant 0 : i32
      %sign3A_383 = arith.cmpi slt, %jit3A_370, %sign3A_382 : i32
      %sign3A_384 = arith.extui %sign3A_383 : i1 to i32
      %sign3A_385 = arith.subi %sign3A_381, %sign3A_384 : i32
      %ne3A_386 = arith.cmpi ne, %sign3A_378, %sign3A_385 : i32
      %rem3A_387 = arith.remsi %add3A_369, %jit3A_370 : i32
      %ne3A_388 = arith.constant 0 : i32
      %ne3A_389 = arith.cmpi ne, %rem3A_387, %ne3A_388 : i32
      %and3A_390 = arith.andi %ne3A_386, %ne3A_389 : i1
      %sub3A_391 = arith.constant 1 : i32
      %sub3A_392 = arith.subi %div3A_371, %sub3A_391 : i32
      %select_n3A_393 = arith.select %and3A_390, %sub3A_392, %div3A_371 : i32
      %add3A_394 = arith.constant 1 : i32
      %add3A_395 = arith.addi %select_n3A_393, %add3A_394 : i32
      %lt3A_396 = arith.constant 25 : i32
      %lt3A_397 = arith.cmpi slt, %add3A_395, %lt3A_396 : i32
      %and3A_398 = arith.andi %eq3A_367, %lt3A_397 : i1
      %convert_element_type3A_399 = arith.extui %and3A_398 : i1 to i32
      %cond3A_400 = arith.constant 0 : i32
      %cond3A_401 = arith.cmpi ne, %convert_element_type3A_399, %cond3A_400 : i32
      scf.if %cond3A_401 {
        %add3A_439 = arith.constant 1 : i32
        %add3A_440 = arith.addi %add3A_240, %add3A_439 : i32
        %jit3A_441 = arith.constant 8 : i32
        %div3A_442 = arith.divsi %add3A_440, %jit3A_441 : i32
        %sign3A_443 = arith.constant 0 : i32
        %sign3A_444 = arith.cmpi sgt, %add3A_440, %sign3A_443 : i32
        %sign3A_445 = arith.extui %sign3A_444 : i1 to i32
        %sign3A_446 = arith.constant 0 : i32
        %sign3A_447 = arith.cmpi slt, %add3A_440, %sign3A_446 : i32
        %sign3A_448 = arith.extui %sign3A_447 : i1 to i32
        %sign3A_449 = arith.subi %sign3A_445, %sign3A_448 : i32
        %sign3A_450 = arith.constant 0 : i32
        %sign3A_451 = arith.cmpi sgt, %jit3A_441, %sign3A_450 : i32
        %sign3A_452 = arith.extui %sign3A_451 : i1 to i32
        %sign3A_453 = arith.constant 0 : i32
        %sign3A_454 = arith.cmpi slt, %jit3A_441, %sign3A_453 : i32
        %sign3A_455 = arith.extui %sign3A_454 : i1 to i32
        %sign3A_456 = arith.subi %sign3A_452, %sign3A_455 : i32
        %ne3A_457 = arith.cmpi ne, %sign3A_449, %sign3A_456 : i32
        %rem3A_458 = arith.remsi %add3A_440, %jit3A_441 : i32
        %ne3A_459 = arith.constant 0 : i32
        %ne3A_460 = arith.cmpi ne, %rem3A_458, %ne3A_459 : i32
        %and3A_461 = arith.andi %ne3A_457, %ne3A_460 : i1
        %sub3A_462 = arith.constant 1 : i32
        %sub3A_463 = arith.subi %div3A_442, %sub3A_462 : i32
        %select_n3A_464 = arith.select %and3A_461, %sub3A_463, %div3A_442 : i32
        %add3A_465 = arith.constant 1 : i32
        %add3A_466 = arith.addi %select_n3A_464, %add3A_465 : i32
        %mul3A_467 = arith.constant 8 : i32
        %mul3A_468 = arith.muli %add3A_466, %mul3A_467 : i32
        %jit3A_469 = arith.constant 8 : i32
        %div3A_470 = arith.divsi %add3A_240, %jit3A_469 : i32
        %sign3A_471 = arith.constant 0 : i32
        %sign3A_472 = arith.cmpi sgt, %add3A_240, %sign3A_471 : i32
        %sign3A_473 = arith.extui %sign3A_472 : i1 to i32
        %sign3A_474 = arith.constant 0 : i32
        %sign3A_475 = arith.cmpi slt, %add3A_240, %sign3A_474 : i32
        %sign3A_476 = arith.extui %sign3A_475 : i1 to i32
        %sign3A_477 = arith.subi %sign3A_473, %sign3A_476 : i32
        %sign3A_478 = arith.constant 0 : i32
        %sign3A_479 = arith.cmpi sgt, %jit3A_469, %sign3A_478 : i32
        %sign3A_480 = arith.extui %sign3A_479 : i1 to i32
        %sign3A_481 = arith.constant 0 : i32
        %sign3A_482 = arith.cmpi slt, %jit3A_469, %sign3A_481 : i32
        %sign3A_483 = arith.extui %sign3A_482 : i1 to i32
        %sign3A_484 = arith.subi %sign3A_480, %sign3A_483 : i32
        %ne3A_485 = arith.cmpi ne, %sign3A_477, %sign3A_484 : i32
        %rem3A_486 = arith.remsi %add3A_240, %jit3A_469 : i32
        %ne3A_487 = arith.constant 0 : i32
        %ne3A_488 = arith.cmpi ne, %rem3A_486, %ne3A_487 : i32
        %and3A_489 = arith.andi %ne3A_485, %ne3A_488 : i1
        %sub3A_490 = arith.constant 1 : i32
        %sub3A_491 = arith.subi %div3A_470, %sub3A_490 : i32
        %select_n3A_492 = arith.select %and3A_489, %sub3A_491, %div3A_470 : i32
        %jit3A_493 = arith.constant 2 : i32
        %eq3A_494 = arith.constant 0 : i32
        %eq3A_495 = arith.cmpi eq, %jit3A_493, %eq3A_494 : i32
        %jit3A_496 = arith.constant 1 : i32
        %select_n3A_497 = arith.select %eq3A_495, %jit3A_496, %jit3A_493 : i32
        %rem3A_498 = arith.remsi %select_n3A_492, %select_n3A_497 : i32
        %ne3A_499 = arith.constant 0 : i32
        %ne3A_500 = arith.cmpi ne, %rem3A_498, %ne3A_499 : i32
        %lt3A_501 = arith.constant 0 : i32
        %lt3A_502 = arith.cmpi slt, %rem3A_498, %lt3A_501 : i32
        %lt3A_503 = arith.constant 0 : i32
        %lt3A_504 = arith.cmpi slt, %select_n3A_497, %lt3A_503 : i32
        %ne3A_505 = arith.xori %lt3A_502, %lt3A_504 : i1
        %and3A_506 = arith.andi %ne3A_505, %ne3A_500 : i1
        %add3A_507 = arith.addi %rem3A_498, %select_n3A_497 : i32
        %select_n3A_508 = arith.select %and3A_506, %add3A_507, %rem3A_498 : i32
        %dma_start3A_509 = arith.constant 0 : i32
        %dma_start3A_510 = arith.constant 0 : i32
        %dma_start3A_511 = tpu.memref_slice %arg6[%select_n3A_508, %dma_start3A_509, %dma_start3A_510] : memref<2x8x128xi32, #tpu.memory_space<vmem>> -> memref<1x8x128xi32, #tpu.memory_space<vmem>>
        %dma_start3A_512 = tpu.memref_squeeze %dma_start3A_511 : memref<1x8x128xi32, #tpu.memory_space<vmem>> -> memref<8x128xi32, #tpu.memory_space<vmem>>
        %dma_start3A_513 = tpu.memref_slice %arg2[%mul3A_468, %mul3A_2] : memref<200x4096xi32, #tpu.memory_space<hbm>> -> memref<8x128xi32, #tpu.memory_space<hbm>>
        %dma_start3A_514 = arith.constant 0 : i32
        %dma_start3A_515 = arith.constant 0 : i32
        %dma_start3A_516 = tpu.memref_slice %arg6[%select_n3A_508, %dma_start3A_514, %dma_start3A_515] : memref<2x8x128xi32, #tpu.memory_space<vmem>> -> memref<1x8x128xi32, #tpu.memory_space<vmem>>
        %dma_start3A_517 = tpu.memref_squeeze %dma_start3A_516 : memref<1x8x128xi32, #tpu.memory_space<vmem>> -> memref<8x128xi32, #tpu.memory_space<vmem>>
        %dma_start3A_518 = tpu.memref_slice %arg2[%mul3A_468, %mul3A_2] : memref<200x4096xi32, #tpu.memory_space<hbm>> -> memref<8x128xi32, #tpu.memory_space<hbm>>
        tpu.enqueue_dma source(%dma_start3A_518 : memref<8x128xi32, #tpu.memory_space<hbm>>) target(%dma_start3A_517 : memref<8x128xi32, #tpu.memory_space<vmem>>) target_semaphore(%arg9 : memref<!tpu.dma_semaphore, #tpu.memory_space<semaphore_mem>>)
      } else {
      }
      %get3A_402 = arith.index_cast %add3A_240 : i32 to index
      %get3A_403 = arith.constant 0 : index
      %get3A_404 = tpu.vector_load %arg8[%get3A_402, %get3A_403] {strides = array<i32>} : memref<200x64xf32, #tpu.memory_space<vmem>>, vector<1x16xf32>,
      %get3A_405 = vector.shape_cast %get3A_404 : vector<1x16xf32> to vector<16xf32>
      %get3A_406 = arith.index_cast %add3A_240 : i32 to index
      %get3A_407 = arith.constant 16 : index
      %get3A_408 = tpu.vector_load %arg8[%get3A_406, %get3A_407] {strides = array<i32>} : memref<200x64xf32, #tpu.memory_space<vmem>>, vector<1x16xf32>,
      %get3A_409 = vector.shape_cast %get3A_408 : vector<1x16xf32> to vector<16xf32>
      %get3A_410 = arith.index_cast %add3A_240 : i32 to index
      %get3A_411 = arith.constant 32 : index
      %get3A_412 = tpu.vector_load %arg8[%get3A_410, %get3A_411] {strides = array<i32>} : memref<200x64xf32, #tpu.memory_space<vmem>>, vector<1x16xf32>,
      %get3A_413 = vector.shape_cast %get3A_412 : vector<1x16xf32> to vector<16xf32>
      %get3A_414 = arith.index_cast %add3A_240 : i32 to index
      %get3A_415 = arith.constant 48 : index
      %get3A_416 = tpu.vector_load %arg8[%get3A_414, %get3A_415] {strides = array<i32>} : memref<200x64xf32, #tpu.memory_space<vmem>>, vector<1x16xf32>,
      %get3A_417 = vector.shape_cast %get3A_416 : vector<1x16xf32> to vector<16xf32>
      %scan3A_418 = arith.constant 0 : i32
      %scan3A_419 = arith.constant 0 : i32
      %scan3A_420 = arith.constant 64 : i32
      %scan3A_421 = arith.addi %scan3A_419, %scan3A_420 : i32
      %scan3A_422 = arith.constant 1 : i32
      scf.for %scan3A_439 = %scan3A_419 to %scan3A_421 step %scan3A_422  : i32 {
        %mul3A_440 = arith.constant 2 : i32
        %mul3A_441 = arith.muli %mul3A_440, %scan3A_439 : i32
        %add3A_442 = arith.constant 0 : i32
        %add3A_443 = arith.addi %mul3A_441, %add3A_442 : i32
        %get3A_444 = arith.constant 1 : i32
        %get3A_445 = arith.index_cast %get3A_444 : i32 to index
        %get3A_446 = arith.index_cast %add3A_443 : i32 to index
        %get3A_447 = arith.constant 0 : index
        %get3A_448 = tpu.vector_load %arg7[%get3A_445, %get3A_446, %get3A_447] {strides = array<i32>} : memref<2x128x128xf32, #tpu.memory_space<vmem>>, vector<1x1x16xf32>,
        %get3A_449 = vector.shape_cast %get3A_448 : vector<1x1x16xf32> to vector<16xf32>
        %add3A_450 = arith.addf %get3A_449, %get3A_405 : vector<16xf32>
        %swap3A = arith.constant 1 : i32
        %swap3A_451 = arith.index_cast %swap3A : i32 to index
        %swap3A_452 = arith.index_cast %add3A_443 : i32 to index
        %swap3A_453 = arith.constant 0 : index
        %swap3A_454 = tpu.vector_load %arg7[%swap3A_451, %swap3A_452, %swap3A_453] {strides = array<i32>} : memref<2x128x128xf32, #tpu.memory_space<vmem>>, vector<1x1x16xf32>,
        %swap3A_455 = vector.shape_cast %swap3A_454 : vector<1x1x16xf32> to vector<16xf32>
        %swap3A_456 = vector.shape_cast %add3A_450 : vector<16xf32> to vector<1x1x16xf32>
        tpu.vector_store %arg7[%swap3A_451, %swap3A_452, %swap3A_453], %swap3A_456 {strides = array<i32>} : memref<2x128x128xf32, #tpu.memory_space<vmem>>, vector<1x1x16xf32>,
        %mul3A_457 = arith.constant 2 : i32
        %mul3A_458 = arith.muli %mul3A_457, %scan3A_439 : i32
        %add3A_459 = arith.constant 0 : i32
        %add3A_460 = arith.addi %mul3A_458, %add3A_459 : i32
        %get3A_461 = arith.constant 1 : i32
        %get3A_462 = arith.index_cast %get3A_461 : i32 to index
        %get3A_463 = arith.index_cast %add3A_460 : i32 to index
        %get3A_464 = arith.constant 16 : index
        %get3A_465 = tpu.vector_load %arg7[%get3A_462, %get3A_463, %get3A_464] {strides = array<i32>} : memref<2x128x128xf32, #tpu.memory_space<vmem>>, vector<1x1x16xf32>,
        %get3A_466 = vector.shape_cast %get3A_465 : vector<1x1x16xf32> to vector<16xf32>
        %add3A_467 = arith.addf %get3A_466, %get3A_409 : vector<16xf32>
        %swap3A_468 = arith.constant 1 : i32
        %swap3A_469 = arith.index_cast %swap3A_468 : i32 to index
        %swap3A_470 = arith.index_cast %add3A_460 : i32 to index
        %swap3A_471 = arith.constant 16 : index
        %swap3A_472 = tpu.vector_load %arg7[%swap3A_469, %swap3A_470, %swap3A_471] {strides = array<i32>} : memref<2x128x128xf32, #tpu.memory_space<vmem>>, vector<1x1x16xf32>,
        %swap3A_473 = vector.shape_cast %swap3A_472 : vector<1x1x16xf32> to vector<16xf32>
        %swap3A_474 = vector.shape_cast %add3A_467 : vector<16xf32> to vector<1x1x16xf32>
        tpu.vector_store %arg7[%swap3A_469, %swap3A_470, %swap3A_471], %swap3A_474 {strides = array<i32>} : memref<2x128x128xf32, #tpu.memory_space<vmem>>, vector<1x1x16xf32>,
        %mul3A_475 = arith.constant 2 : i32
        %mul3A_476 = arith.muli %mul3A_475, %scan3A_439 : i32
        %add3A_477 = arith.constant 0 : i32
        %add3A_478 = arith.addi %mul3A_476, %add3A_477 : i32
        %get3A_479 = arith.constant 1 : i32
        %get3A_480 = arith.index_cast %get3A_479 : i32 to index
        %get3A_481 = arith.index_cast %add3A_478 : i32 to index
        %get3A_482 = arith.constant 32 : index
        %get3A_483 = tpu.vector_load %arg7[%get3A_480, %get3A_481, %get3A_482] {strides = array<i32>} : memref<2x128x128xf32, #tpu.memory_space<vmem>>, vector<1x1x16xf32>,
        %get3A_484 = vector.shape_cast %get3A_483 : vector<1x1x16xf32> to vector<16xf32>
        %add3A_485 = arith.addf %get3A_484, %get3A_413 : vector<16xf32>
        %swap3A_486 = arith.constant 1 : i32
        %swap3A_487 = arith.index_cast %swap3A_486 : i32 to index
        %swap3A_488 = arith.index_cast %add3A_478 : i32 to index
        %swap3A_489 = arith.constant 32 : index
        %swap3A_490 = tpu.vector_load %arg7[%swap3A_487, %swap3A_488, %swap3A_489] {strides = array<i32>} : memref<2x128x128xf32, #tpu.memory_space<vmem>>, vector<1x1x16xf32>,
        %swap3A_491 = vector.shape_cast %swap3A_490 : vector<1x1x16xf32> to vector<16xf32>
        %swap3A_492 = vector.shape_cast %add3A_485 : vector<16xf32> to vector<1x1x16xf32>
        tpu.vector_store %arg7[%swap3A_487, %swap3A_488, %swap3A_489], %swap3A_492 {strides = array<i32>} : memref<2x128x128xf32, #tpu.memory_space<vmem>>, vector<1x1x16xf32>,
        %mul3A_493 = arith.constant 2 : i32
        %mul3A_494 = arith.muli %mul3A_493, %scan3A_439 : i32
        %add3A_495 = arith.constant 0 : i32
        %add3A_496 = arith.addi %mul3A_494, %add3A_495 : i32
        %get3A_497 = arith.constant 1 : i32
        %get3A_498 = arith.index_cast %get3A_497 : i32 to index
        %get3A_499 = arith.index_cast %add3A_496 : i32 to index
        %get3A_500 = arith.constant 48 : index
        %get3A_501 = tpu.vector_load %arg7[%get3A_498, %get3A_499, %get3A_500] {strides = array<i32>} : memref<2x128x128xf32, #tpu.memory_space<vmem>>, vector<1x1x16xf32>,
        %get3A_502 = vector.shape_cast %get3A_501 : vector<1x1x16xf32> to vector<16xf32>
        %add3A_503 = arith.addf %get3A_502, %get3A_417 : vector<16xf32>
        %swap3A_504 = arith.constant 1 : i32
        %swap3A_505 = arith.index_cast %swap3A_504 : i32 to index
        %swap3A_506 = arith.index_cast %add3A_496 : i32 to index
        %swap3A_507 = arith.constant 48 : index
        %swap3A_508 = tpu.vector_load %arg7[%swap3A_505, %swap3A_506, %swap3A_507] {strides = array<i32>} : memref<2x128x128xf32, #tpu.memory_space<vmem>>, vector<1x1x16xf32>,
        %swap3A_509 = vector.shape_cast %swap3A_508 : vector<1x1x16xf32> to vector<16xf32>
        %swap3A_510 = vector.shape_cast %add3A_503 : vector<16xf32> to vector<1x1x16xf32>
        tpu.vector_store %arg7[%swap3A_505, %swap3A_506, %swap3A_507], %swap3A_510 {strides = array<i32>} : memref<2x128x128xf32, #tpu.memory_space<vmem>>, vector<1x1x16xf32>,
        %mul3A_511 = arith.constant 2 : i32
        %mul3A_512 = arith.muli %mul3A_511, %scan3A_439 : i32
        %add3A_513 = arith.constant 1 : i32
        %add3A_514 = arith.addi %mul3A_512, %add3A_513 : i32
        %get3A_515 = arith.constant 1 : i32
        %get3A_516 = arith.index_cast %get3A_515 : i32 to index
        %get3A_517 = arith.index_cast %add3A_514 : i32 to index
        %get3A_518 = arith.constant 0 : index
        %get3A_519 = tpu.vector_load %arg7[%get3A_516, %get3A_517, %get3A_518] {strides = array<i32>} : memref<2x128x128xf32, #tpu.memory_space<vmem>>, vector<1x1x16xf32>,
        %get3A_520 = vector.shape_cast %get3A_519 : vector<1x1x16xf32> to vector<16xf32>
        %add3A_521 = arith.addf %get3A_520, %get3A_405 : vector<16xf32>
        %swap3A_522 = arith.constant 1 : i32
        %swap3A_523 = arith.index_cast %swap3A_522 : i32 to index
        %swap3A_524 = arith.index_cast %add3A_514 : i32 to index
        %swap3A_525 = arith.constant 0 : index
        %swap3A_526 = tpu.vector_load %arg7[%swap3A_523, %swap3A_524, %swap3A_525] {strides = array<i32>} : memref<2x128x128xf32, #tpu.memory_space<vmem>>, vector<1x1x16xf32>,
        %swap3A_527 = vector.shape_cast %swap3A_526 : vector<1x1x16xf32> to vector<16xf32>
        %swap3A_528 = vector.shape_cast %add3A_521 : vector<16xf32> to vector<1x1x16xf32>
        tpu.vector_store %arg7[%swap3A_523, %swap3A_524, %swap3A_525], %swap3A_528 {strides = array<i32>} : memref<2x128x128xf32, #tpu.memory_space<vmem>>, vector<1x1x16xf32>,
        %mul3A_529 = arith.constant 2 : i32
        %mul3A_530 = arith.muli %mul3A_529, %scan3A_439 : i32
        %add3A_531 = arith.constant 1 : i32
        %add3A_532 = arith.addi %mul3A_530, %add3A_531 : i32
        %get3A_533 = arith.constant 1 : i32
        %get3A_534 = arith.index_cast %get3A_533 : i32 to index
        %get3A_535 = arith.index_cast %add3A_532 : i32 to index
        %get3A_536 = arith.constant 16 : index
        %get3A_537 = tpu.vector_load %arg7[%get3A_534, %get3A_535, %get3A_536] {strides = array<i32>} : memref<2x128x128xf32, #tpu.memory_space<vmem>>, vector<1x1x16xf32>,
        %get3A_538 = vector.shape_cast %get3A_537 : vector<1x1x16xf32> to vector<16xf32>
        %add3A_539 = arith.addf %get3A_538, %get3A_409 : vector<16xf32>
        %swap3A_540 = arith.constant 1 : i32
        %swap3A_541 = arith.index_cast %swap3A_540 : i32 to index
        %swap3A_542 = arith.index_cast %add3A_532 : i32 to index
        %swap3A_543 = arith.constant 16 : index
        %swap3A_544 = tpu.vector_load %arg7[%swap3A_541, %swap3A_542, %swap3A_543] {strides = array<i32>} : memref<2x128x128xf32, #tpu.memory_space<vmem>>, vector<1x1x16xf32>,
        %swap3A_545 = vector.shape_cast %swap3A_544 : vector<1x1x16xf32> to vector<16xf32>
        %swap3A_546 = vector.shape_cast %add3A_539 : vector<16xf32> to vector<1x1x16xf32>
        tpu.vector_store %arg7[%swap3A_541, %swap3A_542, %swap3A_543], %swap3A_546 {strides = array<i32>} : memref<2x128x128xf32, #tpu.memory_space<vmem>>, vector<1x1x16xf32>,
        %mul3A_547 = arith.constant 2 : i32
        %mul3A_548 = arith.muli %mul3A_547, %scan3A_439 : i32
        %add3A_549 = arith.constant 1 : i32
        %add3A_550 = arith.addi %mul3A_548, %add3A_549 : i32
        %get3A_551 = arith.constant 1 : i32
        %get3A_552 = arith.index_cast %get3A_551 : i32 to index
        %get3A_553 = arith.index_cast %add3A_550 : i32 to index
        %get3A_554 = arith.constant 32 : index
        %get3A_555 = tpu.vector_load %arg7[%get3A_552, %get3A_553, %get3A_554] {strides = array<i32>} : memref<2x128x128xf32, #tpu.memory_space<vmem>>, vector<1x1x16xf32>,
        %get3A_556 = vector.shape_cast %get3A_555 : vector<1x1x16xf32> to vector<16xf32>
        %add3A_557 = arith.addf %get3A_556, %get3A_413 : vector<16xf32>
        %swap3A_558 = arith.constant 1 : i32
        %swap3A_559 = arith.index_cast %swap3A_558 : i32 to index
        %swap3A_560 = arith.index_cast %add3A_550 : i32 to index
        %swap3A_561 = arith.constant 32 : index
        %swap3A_562 = tpu.vector_load %arg7[%swap3A_559, %swap3A_560, %swap3A_561] {strides = array<i32>} : memref<2x128x128xf32, #tpu.memory_space<vmem>>, vector<1x1x16xf32>,
        %swap3A_563 = vector.shape_cast %swap3A_562 : vector<1x1x16xf32> to vector<16xf32>
        %swap3A_564 = vector.shape_cast %add3A_557 : vector<16xf32> to vector<1x1x16xf32>
        tpu.vector_store %arg7[%swap3A_559, %swap3A_560, %swap3A_561], %swap3A_564 {strides = array<i32>} : memref<2x128x128xf32, #tpu.memory_space<vmem>>, vector<1x1x16xf32>,
        %mul3A_565 = arith.constant 2 : i32
        %mul3A_566 = arith.muli %mul3A_565, %scan3A_439 : i32
        %add3A_567 = arith.constant 1 : i32
        %add3A_568 = arith.addi %mul3A_566, %add3A_567 : i32
        %get3A_569 = arith.constant 1 : i32
        %get3A_570 = arith.index_cast %get3A_569 : i32 to index
        %get3A_571 = arith.index_cast %add3A_568 : i32 to index
        %get3A_572 = arith.constant 48 : index
        %get3A_573 = tpu.vector_load %arg7[%get3A_570, %get3A_571, %get3A_572] {strides = array<i32>} : memref<2x128x128xf32, #tpu.memory_space<vmem>>, vector<1x1x16xf32>,
        %get3A_574 = vector.shape_cast %get3A_573 : vector<1x1x16xf32> to vector<16xf32>
        %add3A_575 = arith.addf %get3A_574, %get3A_417 : vector<16xf32>
        %swap3A_576 = arith.constant 1 : i32
        %swap3A_577 = arith.index_cast %swap3A_576 : i32 to index
        %swap3A_578 = arith.index_cast %add3A_568 : i32 to index
        %swap3A_579 = arith.constant 48 : index
        %swap3A_580 = tpu.vector_load %arg7[%swap3A_577, %swap3A_578, %swap3A_579] {strides = array<i32>} : memref<2x128x128xf32, #tpu.memory_space<vmem>>, vector<1x1x16xf32>,
        %swap3A_581 = vector.shape_cast %swap3A_580 : vector<1x1x16xf32> to vector<16xf32>
        %swap3A_582 = vector.shape_cast %add3A_575 : vector<16xf32> to vector<1x1x16xf32>
        tpu.vector_store %arg7[%swap3A_577, %swap3A_578, %swap3A_579], %swap3A_582 {strides = array<i32>} : memref<2x128x128xf32, #tpu.memory_space<vmem>>, vector<1x1x16xf32>,
      }
      %scan3A_423 = arith.constant 64 : i32
      %dma_start3A_424 = arith.constant 1 : i32
      %dma_start3A_425 = arith.constant 0 : i32
      %dma_start3A_426 = arith.constant 0 : i32
      %dma_start3A_427 = tpu.memref_slice %arg7[%dma_start3A_424, %dma_start3A_425, %dma_start3A_426] : memref<2x128x128xf32, #tpu.memory_space<vmem>> -> memref<1x128x128xf32, #tpu.memory_space<vmem>>
      %dma_start3A_428 = tpu.memref_squeeze %dma_start3A_427 : memref<1x128x128xf32, #tpu.memory_space<vmem>> -> memref<128x128xf32, #tpu.memory_space<vmem>>
      %dma_start3A_429 = arith.constant 0 : i32
      %dma_start3A_430 = tpu.memref_slice %arg5[%mul3A_2, %add3A_240, %dma_start3A_429] : memref<4096x200x128xf32, #tpu.memory_space<hbm>> -> memref<128x1x128xf32, #tpu.memory_space<hbm>>
      %dma_start3A_431 = tpu.memref_squeeze %dma_start3A_430 : memref<128x1x128xf32, #tpu.memory_space<hbm>> -> memref<128x128xf32, #tpu.memory_space<hbm>>
      %dma_start3A_432 = arith.constant 0 : i32
      %dma_start3A_433 = tpu.memref_slice %arg5[%mul3A_2, %add3A_240, %dma_start3A_432] : memref<4096x200x128xf32, #tpu.memory_space<hbm>> -> memref<128x1x128xf32, #tpu.memory_space<hbm>>
      %dma_start3A_434 = tpu.memref_squeeze %dma_start3A_433 : memref<128x1x128xf32, #tpu.memory_space<hbm>> -> memref<128x128xf32, #tpu.memory_space<hbm>>
      %dma_start3A_435 = arith.constant 0 : i32
      %dma_start3A_436 = arith.constant 0 : i32
      %dma_start3A_437 = tpu.memref_slice %arg7[%dma_start3A_424, %dma_start3A_435, %dma_start3A_436] : memref<2x128x128xf32, #tpu.memory_space<vmem>> -> memref<1x128x128xf32, #tpu.memory_space<vmem>>
      %dma_start3A_438 = tpu.memref_squeeze %dma_start3A_437 : memref<1x128x128xf32, #tpu.memory_space<vmem>> -> memref<128x128xf32, #tpu.memory_space<vmem>>
      tpu.enqueue_dma source(%dma_start3A_438 : memref<128x128xf32, #tpu.memory_space<vmem>>) target(%dma_start3A_434 : memref<128x128xf32, #tpu.memory_space<hbm>>) target_semaphore(%arg11 : memref<!tpu.dma_semaphore, #tpu.memory_space<semaphore_mem>>)
    }
    %scan3A_32 = arith.constant 100 : i32
    %dma_wait3A = arith.constant 1 : i32
    %dma_wait3A_33 = arith.constant 199 : i32
    %dma_wait3A_34 = arith.constant 0 : i32
    %dma_wait3A_35 = arith.constant 0 : i32
    %dma_wait3A_36 = tpu.memref_slice %arg7[%dma_wait3A, %dma_wait3A_34, %dma_wait3A_35] : memref<2x128x128xf32, #tpu.memory_space<vmem>> -> memref<1x128x128xf32, #tpu.memory_space<vmem>>
    %dma_wait3A_37 = tpu.memref_squeeze %dma_wait3A_36 : memref<1x128x128xf32, #tpu.memory_space<vmem>> -> memref<128x128xf32, #tpu.memory_space<vmem>>
    %dma_wait3A_38 = arith.constant 0 : i32
    %dma_wait3A_39 = tpu.memref_slice %arg5[%mul3A_2, %dma_wait3A_33, %dma_wait3A_38] : memref<4096x200x128xf32, #tpu.memory_space<hbm>> -> memref<128x1x128xf32, #tpu.memory_space<hbm>>
    %dma_wait3A_40 = tpu.memref_squeeze %dma_wait3A_39 : memref<128x1x128xf32, #tpu.memory_space<hbm>> -> memref<128x128xf32, #tpu.memory_space<hbm>>
    %dma_wait3A_41 = arith.constant 0 : i32
    %dma_wait3A_42 = tpu.memref_slice %arg5[%mul3A_2, %dma_wait3A_33, %dma_wait3A_41] : memref<4096x200x128xf32, #tpu.memory_space<hbm>> -> memref<128x1x128xf32, #tpu.memory_space<hbm>>
    %dma_wait3A_43 = tpu.memref_squeeze %dma_wait3A_42 : memref<128x1x128xf32, #tpu.memory_space<hbm>> -> memref<128x128xf32, #tpu.memory_space<hbm>>
    %dma_wait3A_44 = arith.constant 0 : i32
    %dma_wait3A_45 = arith.constant 0 : i32
    %dma_wait3A_46 = tpu.memref_slice %arg7[%dma_wait3A, %dma_wait3A_44, %dma_wait3A_45] : memref<2x128x128xf32, #tpu.memory_space<vmem>> -> memref<1x128x128xf32, #tpu.memory_space<vmem>>
    %dma_wait3A_47 = tpu.memref_squeeze %dma_wait3A_46 : memref<1x128x128xf32, #tpu.memory_space<vmem>> -> memref<128x128xf32, #tpu.memory_space<vmem>>
    tpu.wait_dma2 semaphore(%arg11 : memref<!tpu.dma_semaphore, #tpu.memory_space<semaphore_mem>>) src(%dma_wait3A_47 : memref<128x128xf32, #tpu.memory_space<vmem>>) dst(%dma_wait3A_43 : memref<128x128xf32, #tpu.memory_space<hbm>>)
    return
  }
}

</mosaic_0001>

<sc_bundles>
// kernel: _run.3.cloned.1.call-start
scs
__scs_entry_jumppad:
0x0: {  	(pc) =	sbr.rel $0x88, $3  }
0x1: {  	(tag) =	ssettag $0x0;
	lr =	simm.s32 $0x1  }
0x2: {  	[smem:$0x3F9E] =	sst lr;
	_ =	strace $0xD0000000  }
0x3: {  	_ = 	snop  }
0x4: {  	_ = 	snop  }
0x5: {  	_ = 	snop  }
0x6: {  	_ = 	snop  }
0x7: {  	_ = 	snop  }
__scs_overlays_trampoline_lowered:
0x8: {  	[smem:$0x3FAD] =	sst s0  }
0x9: {  	[smem:$0x3FAE] =	sst s1  }
0xa: {  	[smem:$0x3FAF] =	sst s2  }
0xb: {  	[smem:$0x3FB0] =	sst s3  }
0xc: {  	[smem:$0x3FB1] =	sst s4  }
0xd: {  	[smem:$0x3FB2] =	sst s5  }
0xe: {  	[smem:$0x3FB3] =	sst s6  }
0xf: {  	[smem:$0x3FB4] =	sst s7  }
0x10: {  	[smem:$0x3FB5] =	sst s8  }
0x11: {  	[smem:$0x3FB6] =	sst s9;
	s0 =	simm.s32 @!p0 $0x0  }
0x12: {  	s1 =	sld [smem:$0x3F9C];
	s0 =	simm.s32 @p0 $0x1  }
0x13: {  	[smem:$0x3FB7] =	sst s0;
	s0 =	simm.s32 @!p1 $0x0  }
0x14: {  	s2 =	sld [smem:$0x3F9B];
	s0 =	simm.s32 @p1 $0x1  }
0x15: {  	[smem:$0x3FB8] =	sst s0;
	s0 =	simm.s32 @!p2 $0x0  }
0x16: {  	s3 =	sld [smem:$0x3FDB];
	s0 =	simm.s32 @p2 $0x1  }
0x17: {  	s4 =	simm.s32 $0x1BF5;
	[smem:$0x3FBA] =	sst s0  }
0x18: {  	s0 =	sld [smem:$0x3F9D];
	_ =	swait.ge [sflag:s4], $0x0  }
0x19: {  	s7 =	sld [smem:$0x3F9E]  }
0x1a: {  	s8 =	sadd.s32 $0xFFFFE003, lr  }
0x1b: {  	s9 =	sadd.s32 $0xFFFFFEF7, lr;
	s5 =	simm.s32 $0xFFFFFFFF;
	p2 =	slt.u32 s8, $0xFFFFF086  }
0x1c: {  	p1 =	slt.u32 s9, $0xF7A;
	s5 =	simm.s32 @!p2 $0x0  }
0x1d: {  	s5 =	simm.s32 @p1 $0x1;
	p0 =	seq.s32 s7, s2  }
0x1e: {  	s7 =	smul.u32 @!p0 $0xF7A, s2;
	p2 =	seq.s32 @!p0 s5, $0x0  }
0x1f: {  	s9 =	smul.u32 $0xF7A, s1;
	s8 =	simm.s32 @!p0 $0x1BF5;
	p2 =	por !p2, p0  }
0x20: {  	[sflag:s8] =	ssyncset.s32 @!p0 $0xFFFFF086;
	s6 =	sadd.s32 @!p0 s3, s7;
	s7 =	simm.s32 @!p0 $0x108  }
0x21: {  	s3 =	sadd.s32 s3, s9;
	s6 =	sadd.s32 @!p0 $0x88, s6;
	s7 =	simm.s32 @p2 $0x1082  }
0x22: {  	[simem:s7], [sflag:s8] =	dma.local @!p0 [hbm:s6], $0xF7A  }
0x23: {  	s9 =	sor.u32 $0xD0000000, s2;
	s6 =	simm.s32 $0x108;
	_ =	swait.ge @!p0 [sflag:s8], $0x0  }
0x24: {  	s3 =	sadd.s32 $0x88, s3;
	s6 =	simm.s32 @!p1 $0x1082;
	[sflag:s4] =	ssyncset.s32 $0xFFFFF086  }
0x25: {  	[simem:s6], [sflag:s4] =	dma.local [hbm:s3], $0xF7A  }
0x26: {  	[smem:$0x3F9E] =	sst s1;
	(tag) =	ssettag s2;
	_ =	strace s9  }
0x27: {  	s1 =	sld [smem:$0x3FAE]  }
0x28: {  	s2 =	sld [smem:$0x3FAF]  }
0x29: {  	s4 =	sld [smem:$0x3FB1]  }
0x2a: {  	p0 =	seq.s32 s5, $0x0;
	s5 =	sld [smem:$0x3FB2]  }
0x2b: {  	s6 =	sld [smem:$0x3FB3]  }
0x2c: {  	s7 =	sld [smem:$0x3FB4]  }
0x2d: {  	s3 =	simm.s32 $0x108;
	s8 =	sld [smem:$0x3FB5]  }
0x2e: {  	s3 =	simm.s32 @!p0 $0x1082;
	s9 =	sld [smem:$0x3FB6]  }
0x2f: {  	lr =	sadd.s32 s0, s3;
	s0 =	sld [smem:$0x3FAD]  }
0x30: {  	s3 =	sld [smem:$0x3FB0]  }
0x31: {  	[smem:$0x3FB9] =	sst s10  }
0x32: {  	s10 =	sld [smem:$0x3FB7];
	_ =	sdelay $0x3  }
0x33: {  	p0 =	seq.s32 s10, $0x1;
	s10 =	sld [smem:$0x3FB9];
	_ =	sdelay $0x3  }
0x34: {  	[smem:$0x3FB9] =	sst s10  }
0x35: {  	s10 =	sld [smem:$0x3FB8];
	_ =	sdelay $0x3  }
0x36: {  	p1 =	seq.s32 s10, $0x1;
	s10 =	sld [smem:$0x3FB9];
	_ =	sdelay $0x3  }
0x37: {  	[smem:$0x3FB9] =	sst s10  }
0x38: {  	s10 =	sld [smem:$0x3FBA]  }
0x39: {  	_ = 	snop;
	(pc) =	sbr.ind lr, $3  }
0x3a: {  	_ = 	snop  }
0x3b: {  	_ = 	snop  }
0x3c: {  	p2 =	seq.s32 s10, $0x1;
	s10 =	sld [smem:$0x3FB9]  }
0x3d: {  	_ =	shalt  }
0x3e: {  	_ =	shalt  }
0x3f: {  	_ =	shalt  }
0x40: {  	_ =	shalt  }
0x41: {  	_ =	shalt  }
0x42: {  	_ =	shalt  }
0x43: {  	_ =	shalt  }
0x44: {  	_ =	shalt  }
0x45: {  	_ =	shalt  }
0x46: {  	_ =	shalt  }
0x47: {  	_ =	shalt  }
0x48: {  	_ =	shalt  }
0x49: {  	_ =	shalt  }
0x4a: {  	_ =	shalt  }
0x4b: {  	_ =	shalt  }
0x4c: {  	_ =	shalt  }
0x4d: {  	_ =	shalt  }
0x4e: {  	_ =	shalt  }
0x4f: {  	_ =	shalt  }
0x50: {  	_ =	shalt  }
0x51: {  	_ =	shalt  }
0x52: {  	_ =	shalt  }
0x53: {  	_ =	shalt  }
0x54: {  	_ =	shalt  }
0x55: {  	_ =	shalt  }
0x56: {  	_ =	shalt  }
0x57: {  	_ =	shalt  }
0x58: {  	_ =	shalt  }
0x59: {  	_ =	shalt  }
0x5a: {  	_ =	shalt  }
0x5b: {  	_ =	shalt  }
0x5c: {  	_ =	shalt  }
0x5d: {  	_ =	shalt  }
0x5e: {  	_ =	shalt  }
0x5f: {  	_ =	shalt  }
0x60: {  	_ =	shalt  }
0x61: {  	_ =	shalt  }
0x62: {  	_ =	shalt  }
0x63: {  	_ =	shalt  }
0x64: {  	_ =	shalt  }
0x65: {  	_ =	shalt  }
0x66: {  	_ =	shalt  }
0x67: {  	_ =	shalt  }
0x68: {  	_ =	shalt  }
0x69: {  	_ =	shalt  }
0x6a: {  	_ =	shalt  }
0x6b: {  	_ =	shalt  }
0x6c: {  	_ =	shalt  }
0x6d: {  	_ =	shalt  }
0x6e: {  	_ =	shalt  }
0x6f: {  	_ =	shalt  }
0x70: {  	_ =	shalt  }
0x71: {  	_ =	shalt  }
0x72: {  	_ =	shalt  }
0x73: {  	_ =	shalt  }
0x74: {  	_ =	shalt  }
0x75: {  	_ =	shalt  }
0x76: {  	_ =	shalt  }
0x77: {  	_ =	shalt  }
0x78: {  	_ =	shalt  }
0x79: {  	_ =	shalt  }
0x7a: {  	_ =	shalt  }
0x7b: {  	_ =	shalt  }
0x7c: {  	_ =	shalt  }
0x7d: {  	_ =	shalt  }
0x7e: {  	_ =	shalt  }
0x7f: {  	_ =	shalt  }
0x80: {  	_ =	shalt  }
0x81: {  	_ =	shalt  }
0x82: {  	_ =	shalt  }
0x83: {  	_ =	shalt  }
0x84: {  	_ =	shalt  }
0x85: {  	_ =	shalt  }
0x86: {  	_ =	shalt  }
0x87: {  	_ =	shalt  }
.Lfunc_end0:
.L_simem_size_0:
called_computation_lowered:
.L_overlay_start_0:
0x88: {  	s2 =	sld [smem:$0x3FD9]  }
0x89: {  	s3 =	sld [smem:$0x3FFE];
	_ =	sdelay $0x1  }
0x8a: {  	s1 =	srdreg.scid  }
0x8b: {  	s0 =	sand.u32 $0x1, s1  }
0x8c: {  	s17 =	sshll.u32 s0, $0xA;
	s2 =	sadd.s32 s3, s2  }
0x8d: {  	s2 =	sadd.s32 s2, s17  }
0x8e: {  	[smem:$0x3FC5] =	sst s2  }
0x8f: {  	_ = 	snop  }
0x90: {  	s2 =	sld [smem:$0x3FC9]  }
0x91: {  	s18 =	sld [smem:$0x3FC7]  }
0x92: {  	s4 =	sld [smem:$0x3FD0];
	(tm) =	ssettm $0x1  }
0x93: {  	s5 =	sld [smem:$0x3FFB];
	_ =	sdelay $0x3  }
0x94: {  	_ =	strace s5  }
0x95: {  	s5 =	sld [smem:$0x3FFC];
	_ =	sdelay $0x3  }
0x96: {  	_ =	strace s5  }
0x97: {  	s5 =	sld [smem:$0x3FFD];
	_ =	sdelay $0x3  }
0x98: {  	_ =	strace s5  }
0x99: {  	_ =	strace $0x8FFFFFFF  }
0x9a: {  	s19 =	sld [smem:$0x3FDB];
	_ =	sdelay $0x1  }
0x9b: {  	s6 =	simm.s32 $_scs_section_size  }
0x9c: {  	s7 =	simm.s32 $_size__tile_overlayer_lowered;
	s8 =	simm.s32 $_tile_overlayer_lowered  }
0x9d: {  	s22 =	simm.s32 $0x1BFF;
	s21 =	sshll.u32 s8, $0x1;
	s5 =	sadd.s32 s6, s19  }
0x9e: {  	s9 =	simm.s32 $0x0;
	s20 =	sshll.u32 s7, $0x1;
	s7 =	sadd.s32 s21, s5  }
0x9f: {  	[timem:s9], [sflag:s22] =	dma.local [hbm:s7], s20  }
0xa0: {  	_ =	swait.ge [sflag:s22], s20  }
0xa1: {  	s6 =	ssub.s32 $0x0, s20;
	[sflag:s22] =	ssyncset.done $0x0  }
0xa2: {  	[sflag:s22] =	ssyncadd.s32 s6;
	_ =	sdelay $0x1  }
0xa3: {  	s23 =	simm.s32 $0x1B8B  }
0xa4: {  	_ =	swait.ge [sflag:s23], $0x1  }
0xa5: {  	[sflag:s23] =	ssyncset.done $0x0  }
0xa6: {  	s25 =	simm.s32 $0x1B8E;
	s24 =	sld [smem:$0x3FFE];
	[sflag:s23] =	ssyncadd.s32 $0xFFFFFFFF  }
0xa7: {  	s26 =	simm.s32 $execute0_lowered;
	[smem:$0x3FD2] =	sst s25  }
0xa8: {  	s7 =	sshll.u32 s26, $0x1;
	_ =	strace $0x80000046;
	[dreg:$0x1] =	wrdreg $0xFFFFFFFF  }
0xa9: {  	s28 =	simm.s32 $_size_execute0_lowered;
	s5 =	sadd.s32 s5, s7;
	[dreg:$0x0] =	wrdreg $0x0  }
0xaa: {  	s7 =	sshll.u32 s28, $0x1;
	[dreg:$0x2] =	wrdreg s5  }
0xab: {  	[dreg:$0x3] =	wrdreg s7  }
0xac: {  	[dreg:$0x4] =	wrdreg $0xC0  }
0xad: {  	_ =	task [dreg:s9], $0x5FFFF  }
0xae: {  	[dreg:$0x1] =	wrdreg $0xFFFFFFFF  }
0xaf: {  	[dreg:$0x0] =	wrdreg $0x60  }
0xb0: {  	[dreg:$0x2] =	wrdreg s2  }
0xb1: {  	[dreg:$0x3] =	wrdreg s24  }
0xb2: {  	[dreg:$0x4] =	wrdreg s18  }
0xb3: {  	[dreg:$0x5] =	wrdreg s4  }
0xb4: {  	[dreg:$0x6] =	wrdreg $0x9  }
0xb5: {  	_ =	task.clear_ibuf [dreg:s9], $0x7FFFF;
	_ =	strace $0x90000046  }
0xb6: {  	s29 =	simm.s32 $0x9;
	_ =	strace $0x80000048  }
0xb7: {  	_ =	swait.ge [sflag:s29], $0x1  }
0xb8: {  	[sflag:s29] =	ssyncadd.s32 $0xFFFFFFFF  }
0xb9: {  	_ =	strace $0x90000048  }
0xba: {  	_ =	sfence  }
0xbb: {  	s30 =	sld [smem:$0x0];
	_ =	sdelay $0x2  }
0xbc: {  	s31 =	sshll.u32 s1, $0xD;
	s1 =	sshrl.u32 s1, $0x2  }
0xbd: {  	s3 =	sand.u32 $0x4000, s31;
	s1 =	sadd.s32 s1, s30  }
0xbe: {  	s0 =	sor.u32 s3, s0;
	s1 =	sshll.u32 s1, $0x11  }
0xbf: {  	s0 =	sor.u32 s1, s0  }
0xc0: {  	s0 =	sadd.s32 $0x8F2B, s0  }
0xc1: {  	[sflag:s0] =	ssyncadd.remote.s32 $0x1  }
0xc2: {  	_ =	sfence.sel $0xFFFF  }
0xc3: {  	[dreg:$0x0] =	wrdreg $0xFFFFFFFF;
	(pc) =	sbr.abs _section_cstart, $3  }
0xc4: {  	[dreg:$0x1] =	wrdreg $0xFFFFFFFF  }
0xc5: {  	_ =	task.clear_ibuf [dreg:s9], $0x2FFFF;
	_ =	strace $0x9FFFFFFF  }
0xc6: {  	(tm) =	ssettm $0x7FFFFFFF  }
0xc7: {  	_ =	shalt  }
tec
execute0_lowered:
.L_overlay_start_1:
0x0: {  	(tag) =	ssettag $0x1  }
0x1: {  	s6 =	rddreg [dreg:$0x0]  }
0x2: {  	s5 =	rddreg [dreg:$0x1]  }
0x3: {  	s2 =	rddreg [dreg:$0x2]  }
0x4: {  	s3 =	rddreg [dreg:$0x3]  }
0x5: {  	s0 =	rddreg [dreg:$0x4]  }
0x6: {  	s7 =	srdreg.scid;
	s1 =	stileid.u32  }
0x7: {  	s4 =	simm.s32 $0x0;
	s11 =	simm.s32 $0x4;
	s12 =	simm.s32 $0x400  }
0x8: {  	s13 =	simm.s32 $0x80;
	s14 =	simm.s32 $0x800;
	s15 =	simm.s32 $0x2  }
0x9: {  	s16 =	simm.s32 $0x4800;
	s17 =	simm.s32 $0x6400;
	s18 =	simm.s32 $0x3  }
0xa: {  	s19 =	simm.s32 $0x1;
	s20 =	simm.s32 $0x0;
	s7 =	sand.u32 $0x1, s7  }
.Ltmp0:
0xb: {  	s8 =	sshll.u32 s1, $0x1;
	[smem:$0x7FF] =	sst s4;
	(pc) =	sbr.rel .LBB2_1-.Ltmp0, $4  }
0xc: {  	s5 =	sadd.s32 $0x400, s5;
	s8 =	sor.u32 s7, s8;
	s7 =	ssub.s32 $0x2, s7  }
0xd: {  	_ =	strace $0x80000047;
	s9 =	sshll.u32 s8, $0x7;
	s10 =	sshrl.u32 s7, $0x1  }
0xe: {  	s8 =	smul.u32 $0x320000, s8;
	s6 =	sadd.s32 s6, s9;
	s31 =	ssub.s32 s7, s10  }
0xf: {  	s10 =	simm.s32 $0x8800;
	s7 =	sadd.s32 $0x1000, s6;
	s9 =	smax.u32 s31, $0x1  }
.LBB2_11:
0x10: {  	s20 =	sadd.s32 $0x1, s20  }
0x11: {  	p0 =	sne.s32 s20, s9  }
.Ltmp1:
0x12: {  	_ = 	snop;
	(pc) =	sbr.rel @!p0 .LBB2_12-.Ltmp1, $4  }
0x13: {  	_ = 	snop  }
0x14: {  	_ =	swait.ge [sflag:s18], $0x4000  }
0x15: {  	[sflag:s18] =	ssyncset.done $0x0  }
0x16: {  	[sflag:s18] =	ssyncadd.s32 $0xFFFFC000  }
.LBB2_1:
0x17: {  	[tilespmem:s10], [sflag:$0x4] =	stream.linear.gather [hbm4b:s5+s4], $0x6400, $0x38;
	[tilespmem:$0xEC00] =	vst v63  }
0x18: {  	_ =	swait.ge [sflag:s11], $0x6400  }
0x19: {  	[sflag:s11] =	ssyncset.done $0x0  }
0x1a: {  	[sflag:s11] =	ssyncadd.s32 $0xFFFF9C00  }
0x1b: {  	[tilespmem:s4], [sflag:$0x4] =	stream.linear.gather [hbm4b:s6+s4], $0x400, $0x38;
	[tilespmem:$0xEC00] =	vst v63  }
0x1c: {  	_ =	swait.ge [sflag:s11], $0x400  }
0x1d: {  	[sflag:s11] =	ssyncset.done $0x0  }
0x1e: {  	[sflag:s11] =	ssyncadd.s32 $0xFFFFFC00  }
0x1f: {  	[tilespmem:s12], [sflag:$0x1] =	stream.linear.gather [hbm4b:s7+s4], $0x400, $0x38;
	[tilespmem:$0xEC00] =	vst v63  }
0x20: {  	s21 =	simm.s32 $0x0  }
0x21: {  	[tilespmem:s14], [sflag:$0x2] =	stream.indirect.gather [hbm4b:s2+s13], $0x80, s4, s13, $0xb8;
	[tilespmem:$0xEC00] =	vst v63  }
.LBB2_2:
0x22: {  	p0 =	seq.s32 s21, $0x0  }
0x23: {  	s22 =	simm.s32 @!p0 $0x3  }
0x24: {  	_ =	swait.ge @!p0 [sflag:s22], $0x4000  }
0x25: {  	[sflag:s22] =	ssyncset.done @!p0 $0x0  }
0x26: {  	s23 =	sshll.u32 s21, $0x8;
	[sflag:s22] =	ssyncadd.s32 @!p0 $0xFFFFC000  }
0x27: {  	s24 =	sor.u32 $0x80, s23;
	_ =	swait.ge [sflag:s15], $0x4000  }
0x28: {  	s25 =	sand.u32 $0x400, s23;
	s22 =	sand.u32 $0x380, s24;
	[sflag:s15] =	ssyncset.done $0x0  }
0x29: {  	s26 =	sor.u32 s22, s25;
	[sflag:s15] =	ssyncadd.s32 $0xFFFFC000  }
0x2a: {  	[tilespmem:s16], [sflag:$0x2] =	stream.indirect.gather [hbm4b:s2+s13], $0x80, s26, s13, $0xb8;
	[tilespmem:$0xEC00] =	vst v63  }
0x2b: {  	v3 =	vld [tilespmem:s23+$0x8800]  }
0x2c: {  	v2 =	vld [tilespmem:s23+$0x8810]  }
0x2d: {  	v1 =	vld [tilespmem:s23+$0x8820]  }
0x2e: {  	s26 =	simm.s32 $0x0;
	v0 =	vld [tilespmem:s23+$0x8830]  }
0x2f: {  	v7 =	vld [tilespmem:s26+$0x800]  }
0x30: {  	v9 =	vld [tilespmem:s26+$0x810]  }
0x31: {  	v8 =	vld [tilespmem:s26+$0x820]  }
0x32: {  	v6 =	vld [tilespmem:s26+$0x830]  }
0x33: {  	v4 =	vld [tilespmem:s26+$0x880]  }
0x34: {  	v5 =	vld [tilespmem:s26+$0x890];
	v10 =	vadd.f32 v7, v3  }
0x35: {  	s28 =	sshll.u32 s21, $0x1;
	s29 =	simm.s32 $0x400;
	v9 =	vadd.f32 v9, v2;
	v7 =	vld [tilespmem:s26+$0x8A0]  }
.LBB2_3:
0x36: {  	s30 =	sshra.s32 s29, $0x2;
	p0 =	sne.s32 s29, $0xFC00;
	[tilespmem:s26+$0x800] =	vst v10;
	v8 =	vadd.f32 v8, v1;
	v10 =	vld [tilespmem:s26+$0x8B0]  }
0x37: {  	v11 =	vld [tilespmem:s30+$0x800];
	[tilespmem:s26+$0x810] =	vst v9;
	v6 =	vadd.f32 v6, v0  }
0x38: {  	v9 =	vld [tilespmem:s30+$0x810];
	[tilespmem:s26+$0x820] =	vst v8;
	v4 =	vadd.f32 v4, v3  }
.Ltmp2:
0x39: {  	v8 =	vld [tilespmem:s30+$0x820];
	[tilespmem:s26+$0x830] =	vst v6;
	v5 =	vadd.f32 v5, v2;
	(pc) =	sbr.rel @p0 .LBB2_3-.Ltmp2, $4  }
0x3a: {  	v6 =	vld [tilespmem:s30+$0x830];
	[tilespmem:s26+$0x880] =	vst v4;
	v7 =	vadd.f32 v7, v1  }
0x3b: {  	v4 =	vld [tilespmem:s30+$0x880];
	[tilespmem:s26+$0x890] =	vst v5;
	v12 =	vadd.f32 v10, v0  }
0x3c: {  	v10 =	vadd.f32 v11, v3;
	v5 =	vld [tilespmem:s30+$0x890];
	[tilespmem:s26+$0x8A0] =	vst v7  }
0x3d: {  	s29 =	sadd.s32 $0x400, s29;
	v9 =	vadd.f32 v9, v2;
	v7 =	vld [tilespmem:s30+$0x8A0];
	[tilespmem:s26+$0x8B0] =	vst v12;
	s26 =	smov.u32 s30  }
0x3e: {  	[tilespmem:s26+$0x800] =	vst v10;
	v8 =	vadd.f32 v8, v1;
	v61 =	vld [tilespmem:s26+$0x8B0]  }
0x3f: {  	[tilespmem:s26+$0x810] =	vst v9;
	v6 =	vadd.f32 v6, v0  }
0x40: {  	[tilespmem:s26+$0x820] =	vst v8;
	v3 =	vadd.f32 v4, v3  }
0x41: {  	[tilespmem:s26+$0x830] =	vst v6;
	v2 =	vadd.f32 v5, v2  }
0x42: {  	[tilespmem:s26+$0x880] =	vst v3;
	v62 =	vadd.f32 v7, v1  }
0x43: {  	[tilespmem:s26+$0x890] =	vst v2;
	v63 =	vadd.f32 v61, v0  }
0x44: {  	[tilespmem:s26+$0x8A0] =	vst v62  }
0x45: {  	[tilespmem:s26+$0x8B0] =	vst v63;
	s26 =	sadd.s32 $0x2, s28  }
0x46: {  	p0 =	seq.s32 s21, $0x63;
	s28 =	sand.u32 $0x6, s26  }
0x47: {  	s29 =	sor.u32 s8, s23;
	p1 =	sne.s32 @!p0 s28, $0x0  }
0x48: {  	s29 =	sshrl.u32 s29, $0x3;
	p1 =	por p0, p1  }
.Ltmp3:
0x49: {  	s31 =	sadd.s32 s3, s29;
	(pc) =	sbr.rel @p1 .LBB2_6-.Ltmp3, $4  }
0x4a: {  	[hbm4b:s31+s13] =	stream.strided.scatter [tilespmem:s14], [sflag:$0x3], $0x4000, s17, s13, $0x38;
	[tilespmem:$0xEC00] =	vst v63  }
0x4b: {  	_ =	swait.ge [sflag:s18], $0x4000  }
0x4c: {  	[sflag:s18] =	ssyncset.done $0x0  }
0x4d: {  	[sflag:s18] =	ssyncadd.s32 $0xFFFFC000  }
0x4e: {  	_ =	swait.ge [sflag:s19], $0x400  }
0x4f: {  	[sflag:s19] =	ssyncset.done $0x0  }
0x50: {  	[sflag:s19] =	ssyncadd.s32 $0xFFFFFC00  }
0x51: {  	_ =	swait.ge [sflag:s15], $0x4000  }
0x52: {  	[sflag:s15] =	ssyncset.done $0x0  }
0x53: {  	[sflag:s15] =	ssyncadd.s32 $0xFFFFC000  }
.LBB2_7:
0x54: {  	s29 =	sshll.u32 s26, $0x7;
	p0 =	sgt.u32 s21, $0x5E  }
0x55: {  	s30 =	sshll.u32 s28, $0x7;
	s29 =	sand.u32 $0x400, s29;
	p1 =	sne.s32 @!p0 s28, $0x0  }
0x56: {  	s29 =	sor.u32 s30, s29;
	p0 =	por p1, p0  }
0x57: {  	[tilespmem:s14], [sflag:$0x2] =	stream.indirect.gather [hbm4b:s2+s13], $0x80, s29, s13, $0xb8;
	[tilespmem:$0xEC00] =	vst v63  }
0x58: {  	s26 =	sshll.u32 @!p0 s26, $0x9  }
0x59: {  	s28 =	simm.s32 @!p0 $0x0;
	s26 =	sadd.s32 @!p0 s26, s7  }
0x5a: {  	[tilespmem:s25], [sflag:$0x1] =	stream.linear.gather @!p0 [hbm4b:s26+s28], $0x400, $0x38;
	[tilespmem:$0xEC00] =	vst v63  }
.LBB2_8:
0x5b: {  	v3 =	vld [tilespmem:s24+$0x8800]  }
0x5c: {  	v2 =	vld [tilespmem:s24+$0x8810]  }
0x5d: {  	v1 =	vld [tilespmem:s24+$0x8820]  }
0x5e: {  	v0 =	vld [tilespmem:s24+$0x8830];
	s24 =	simm.s32 $0x0  }
0x5f: {  	v7 =	vld [tilespmem:s24+$0x4800]  }
0x60: {  	v9 =	vld [tilespmem:s24+$0x4810]  }
0x61: {  	v8 =	vld [tilespmem:s24+$0x4820]  }
0x62: {  	v6 =	vld [tilespmem:s24+$0x4830]  }
0x63: {  	v4 =	vld [tilespmem:s24+$0x4880]  }
0x64: {  	v5 =	vld [tilespmem:s24+$0x4890];
	v10 =	vadd.f32 v7, v3  }
0x65: {  	s23 =	sand.u32 $0x7C00, s23;
	s25 =	simm.s32 $0x400;
	v9 =	vadd.f32 v9, v2;
	v7 =	vld [tilespmem:s24+$0x48A0]  }
.LBB2_9:
0x66: {  	s26 =	sshra.s32 s25, $0x2;
	p0 =	sne.s32 s25, $0xFC00;
	[tilespmem:s24+$0x4800] =	vst v10;
	v8 =	vadd.f32 v8, v1;
	v10 =	vld [tilespmem:s24+$0x48B0]  }
0x67: {  	v11 =	vld [tilespmem:s26+$0x4800];
	[tilespmem:s24+$0x4810] =	vst v9;
	v6 =	vadd.f32 v6, v0  }
0x68: {  	v9 =	vld [tilespmem:s26+$0x4810];
	[tilespmem:s24+$0x4820] =	vst v8;
	v4 =	vadd.f32 v4, v3  }
.Ltmp4:
0x69: {  	v8 =	vld [tilespmem:s26+$0x4820];
	[tilespmem:s24+$0x4830] =	vst v6;
	v5 =	vadd.f32 v5, v2;
	(pc) =	sbr.rel @p0 .LBB2_9-.Ltmp4, $4  }
0x6a: {  	v6 =	vld [tilespmem:s26+$0x4830];
	[tilespmem:s24+$0x4880] =	vst v4;
	v7 =	vadd.f32 v7, v1  }
0x6b: {  	v4 =	vld [tilespmem:s26+$0x4880];
	[tilespmem:s24+$0x4890] =	vst v5;
	v12 =	vadd.f32 v10, v0  }
0x6c: {  	v10 =	vadd.f32 v11, v3;
	v5 =	vld [tilespmem:s26+$0x4890];
	[tilespmem:s24+$0x48A0] =	vst v7  }
0x6d: {  	s25 =	sadd.s32 $0x400, s25;
	v9 =	vadd.f32 v9, v2;
	v7 =	vld [tilespmem:s26+$0x48A0];
	[tilespmem:s24+$0x48B0] =	vst v12;
	s24 =	smov.u32 s26  }
0x6e: {  	[tilespmem:s24+$0x4800] =	vst v10;
	v8 =	vadd.f32 v8, v1;
	v61 =	vld [tilespmem:s24+$0x48B0]  }
0x6f: {  	[tilespmem:s24+$0x4810] =	vst v9;
	v6 =	vadd.f32 v6, v0  }
0x70: {  	s21 =	sadd.s32 $0x1, s21;
	[tilespmem:s24+$0x4820] =	vst v8;
	v3 =	vadd.f32 v4, v3  }
0x71: {  	p0 =	sne.s32 s21, $0x64;
	[tilespmem:s24+$0x4830] =	vst v6;
	v2 =	vadd.f32 v5, v2  }
.Ltmp5:
0x72: {  	s23 =	sor.u32 s8, s23;
	[tilespmem:s24+$0x4880] =	vst v3;
	v62 =	vadd.f32 v7, v1;
	(pc) =	sbr.rel @p0 .LBB2_2-.Ltmp5, $4  }
.Ltmp6:
0x73: {  	s22 =	sor.u32 s22, s23;
	[tilespmem:s24+$0x4890] =	vst v2;
	v63 =	vadd.f32 v61, v0;
	(pc) =	sbr.rel @!p0 .LBB2_11-.Ltmp6, $4  }
0x74: {  	s22 =	sshrl.u32 s22, $0x3;
	[tilespmem:s24+$0x48A0] =	vst v62  }
0x75: {  	s22 =	sadd.s32 s3, s22;
	[tilespmem:s24+$0x48B0] =	vst v63  }
0x76: {  	[hbm4b:s22+s13] =	stream.strided.scatter [tilespmem:s16], [sflag:$0x3], $0x4000, s17, s13, $0x38;
	[tilespmem:$0xEC00] =	vst v63  }
0x77: {  	_ = 	snop  }
.LBB2_6:
.Ltmp7:
0x78: {  	(pc) =	sbr.rel @p0 .LBB2_8-.Ltmp7, $4  }
.Ltmp8:
0x79: {  	(pc) =	sbr.rel @!p0 .LBB2_7-.Ltmp8, $4  }
0x7a: {  	_ =	swait.ge [sflag:s15], $0x4000  }
0x7b: {  	[sflag:s15] =	ssyncset.done $0x0  }
0x7c: {  	[sflag:s15] =	ssyncadd.s32 $0xFFFFC000  }
0x7d: {  	_ = 	snop  }
.LBB2_12:
0x7e: {  	_ =	sfence.sel $0x180000  }
0x7f: {  	[bflag:$0x0] =	sbarrier.arrive $0xFFFF  }
0x80: {  	p0 =	sne.s32 s1, $0x0;
	_ =	strace $0x90000047  }
0x81: {  	s0 =	sadd.s32 @!p0 $0x100000, s0;
	[bflag:$0x2] =	sbarrier.arrive $0xFFFF  }
0x82: {  	[sflag:s0] =	ssyncadd.tile.s32 @!p0 $0x1;
	_ =	shalt  }
.Lfunc_end2:
_tile_overlayer_lowered:
.L_overlay_start_2:
0x83: {  	(tag) =	ssettag $0x2  }
0x84: {  	s0 =	rddreg [dreg:$0x0];
	s2 =	stileid.u32  }
0x85: {  	s1 =	rddreg [dreg:$0x1];
	p0 =	sne.s32 s2, $0x0  }
0x86: {  	s3 =	rddreg [dreg:$0x2];
	[bflag:$0x3] =	sbarrier.arrive $0xFFFF;
	s2 =	simm.s32 @!p0 $0x1C04  }
0x87: {  	[timem:s3], [sflag:s2] =	dma.local @!p0 [hbm:s0], s1  }
0x88: {  	s0 =	simm.s32 @!p0 $0x4  }
0x89: {  	_ =	swait.ge @!p0 [sflag:s0], s1  }
0x8a: {  	s1 =	ssub.s32 @!p0 $0x0, s1;
	[sflag:s0] =	ssyncset.done @!p0 $0x0  }
0x8b: {  	[sflag:s0] =	ssyncadd.s32 @!p0 s1  }
0x8c: {  	[bflag:$0x3] =	sbarrier.arrive $0xFFFF  }
0x8d: {  	_ =	shalt  }

</sc_bundles>
